<compile_context>
chip_gen: v7x
topology: tpu7x:2x2x1
jax: 0.10.2.dev20260603
libtpu: 0.0.44.dev20260713+nightly
codegen_flags: <defaults>
</compile_context>

<pallas_src>
import functools

import jax
import jax.numpy as jnp
from jax import lax
from jax.experimental import pallas as pl
from jax.experimental.pallas import tpu as pltpu
from jax.experimental.pallas import tpu_sc as plsc

K = 20
R = 256
NEG_INF = float("-inf")

SC_NC = 2
SC_NS = 16
SC_NW = SC_NC * SC_NS


def _sc_gather_rows(table, idxg, n_rows):
    C = table.shape[-1]
    nq = n_rows // (SC_NW * 256)
    mesh = plsc.VectorSubcoreMesh(
        core_axis_name="c", subcore_axis_name="s",
        num_cores=SC_NC, num_subcores=SC_NS)

    @functools.partial(
        pl.kernel,
        out_type=jax.ShapeDtypeStruct((n_rows, C), jnp.float32),
        mesh=mesh,
        scratch_types=[
            pltpu.VMEM((256,), jnp.int32),
            pltpu.VMEM((256,), jnp.int32),
            pltpu.VMEM((256, C), jnp.float32),
            pltpu.VMEM((256, C), jnp.float32),
            pltpu.SemaphoreType.DMA,
            pltpu.SemaphoreType.DMA,
        ],
    )
    def gather_kernel(table_hbm, idx_hbm, out_hbm, idx0, idx1, buf0, buf1,
                      sem0, sem1):
        wid = lax.axis_index("s") * SC_NC + lax.axis_index("c")
        idxs = (idx0, idx1)
        bufs = (buf0, buf1)
        sems = (sem0, sem1)

        def chunk_off(q):
            return pl.multiple_of((wid * nq + q) * 256, 256)

        def fire(q):
            p = q % 2
            pltpu.sync_copy(idx_hbm.at[pl.ds(chunk_off(q), 256)], idxs[p])
            return pltpu.async_copy(table_hbm.at[idxs[p]], bufs[p], sems[p])

        pending = fire(0)
        for q in range(nq):
            nxt = fire(q + 1) if q + 1 < nq else None
            pending.wait()
            pltpu.sync_copy(bufs[q % 2], out_hbm.at[pl.ds(chunk_off(q), 256)])
            pending = nxt

    return gather_kernel(table, idxg)


def _leaky(v):
    return jnp.where(v >= 0, v, 0.2 * v)


def _topk_loop_t(nd_t):
    n, rr = nd_t.shape
    siota = lax.broadcasted_iota(jnp.int32, (n, rr), 0)
    kiota = lax.broadcasted_iota(jnp.int32, (K, rr), 0)

    def body(j, carry):
        vprev, iprev, idxmat = carry
        elig = jnp.logical_or(
            nd_t < vprev,
            jnp.logical_and(nd_t == vprev, siota > iprev))
        m = jnp.max(jnp.where(elig, nd_t, NEG_INF),
                    axis=0, keepdims=True)
        am = jnp.min(
            jnp.where(jnp.logical_and(elig, nd_t == m), siota, n),
            axis=0, keepdims=True)
        idxmat = idxmat + jnp.where(kiota == j, am, 0)
        return m, am, idxmat

    _, _, idxmat = lax.fori_loop(
        0, K, body,
        (jnp.full((1, rr), jnp.inf, jnp.float32),
         jnp.full((1, rr), -1, jnp.int32),
         jnp.zeros((K, rr), jnp.int32)))
    return idxmat


def _topk_threshold(nd_t):
    rr = nd_t.shape[1]

    def body(_, prev_m):
        masked = jnp.where(nd_t < prev_m, nd_t, NEG_INF)
        return jnp.max(masked, axis=0, keepdims=True)

    return lax.fori_loop(
        0, K, body, jnp.full((1, rr), jnp.inf, jnp.float32))


def _knn_kernel(xf_ref, xr_ref, sqrow_ref, sqcand_ref, idx_ref):
    g = lax.dot_general(
        xf_ref[0], xr_ref[0], (((1,), (1,)), ((), ())),
        preferred_element_type=jnp.float32)
    nd_t = -((sqrow_ref[0] - 2.0 * g) + sqcand_ref[0])
    idx_ref[0] = _topk_loop_t(nd_t)


def _edge_kernel(xr_ref, xj_ref, w1_ref, b1_ref, w2_ref, b2_ref, x1_ref):
    xr = xr_ref[0]
    rr, c = xr.shape
    xj = xj_ref[0][:, :, :c]
    xi = jnp.broadcast_to(xr[:, None, :], (rr, K, c))
    e = jnp.concatenate([xi, xj - xi], axis=2)
    ef = e.reshape(rr * K, 2 * c)
    h = _leaky(lax.dot(ef, w1_ref[...],
                       preferred_element_type=jnp.float32) + b1_ref[...])
    h = _leaky(lax.dot(h, w2_ref[...],
                       preferred_element_type=jnp.float32) + b2_ref[...])
    x1_ref[0] = jnp.max(h.reshape(rr, K, -1), axis=1)


def _idgcn_kernel(xf_ref, xr_ref, sqrow_ref, sqcand_ref, ws_ref, wn_ref,
                  bb_ref, xo_ref):
    xb = xf_ref[0]
    xr = xr_ref[0]
    g = lax.dot_general(
        xb, xr, (((1,), (1,)), ((), ())),
        preferred_element_type=jnp.float32)
    nd_t = -((sqrow_ref[0] - 2.0 * g) + sqcand_ref[0])
    tau = _topk_threshold(nd_t)
    acc = (nd_t >= tau).astype(jnp.float32)
    agg = lax.dot_general(
        acc, xb, (((0,), (0,)), ((), ())),
        preferred_element_type=jnp.float32,
        precision=lax.Precision.HIGHEST) / jnp.float32(K)
    h = _leaky((lax.dot(xr, ws_ref[...], preferred_element_type=jnp.float32)
                + lax.dot(agg, wn_ref[...],
                          preferred_element_type=jnp.float32))
               + bb_ref[...])
    xo_ref[0] = xr + h


def _full_spec(n, c):
    return pl.BlockSpec((1, n, c), lambda b, rb: (b, 0, 0))


def _row_spec(c):
    return pl.BlockSpec((1, R, c), lambda b, rb: (b, rb, 0))


def _w_spec(h, w):
    return pl.BlockSpec((h, w), lambda b, rb: (0, 0))


@jax.jit
def kernel(feature, W1, b1, W2, b2, Ws1, Wn1, bb1, Ws2, Wn2, bb2,
           Ws3, Wn3, bb3):
    B, N, C = feature.shape
    H = W2.shape[0]
    nb = N // R
    cparams = pltpu.CompilerParams(
        dimension_semantics=("parallel", "arbitrary"))
    sqrow_spec = pl.BlockSpec((1, 1, R), lambda b, rb: (b, 0, rb))
    sqcand_spec = pl.BlockSpec((1, N, 1), lambda b, rb: (b, 0, 0))

    sq = jnp.sum(feature * feature, axis=-1)
    idx_t = pl.pallas_call(
        _knn_kernel,
        grid=(B, nb),
        in_specs=[_full_spec(N, C), _row_spec(C), sqrow_spec, sqcand_spec],
        out_specs=pl.BlockSpec((1, K, R), lambda b, rb: (b, 0, rb)),
        out_shape=jax.ShapeDtypeStruct((B, K, N), jnp.int32),
        compiler_params=cparams,
    )(feature, feature, sq.reshape(B, 1, N), sq.reshape(B, N, 1))
    idx = jnp.transpose(idx_t, (0, 2, 1))

    idxg = (idx + (jnp.arange(B, dtype=jnp.int32) * N)[:, None, None])
    idxg = idxg.reshape(B * N * K)
    table = jnp.concatenate(
        [feature.reshape(B * N, C),
         jnp.zeros((B * N, 128 - C), jnp.float32)], axis=1)
    xj = _sc_gather_rows(table, idxg, B * N * K)
    xj = xj.reshape(B, N, K, 128)

    x = pl.pallas_call(
        _edge_kernel,
        grid=(B, nb),
        in_specs=[_row_spec(C),
                  pl.BlockSpec((1, R, K, 128), lambda b, rb: (b, rb, 0, 0)),
                  _w_spec(2 * C, H), _w_spec(1, H), _w_spec(H, H),
                  _w_spec(1, H)],
        out_specs=_row_spec(H),
        out_shape=jax.ShapeDtypeStruct((B, N, H), jnp.float32),
        compiler_params=cparams,
    )(feature, xj, W1, b1.reshape(1, H), W2, b2.reshape(1, H))

    feats = []
    for (Ws, Wn, bb) in ((Ws1, Wn1, bb1), (Ws2, Wn2, bb2), (Ws3, Wn3, bb3)):
        sq = jnp.sum(x * x, axis=-1)
        x = pl.pallas_call(
            _idgcn_kernel,
            grid=(B, nb),
            in_specs=[_full_spec(N, H), _row_spec(H), sqrow_spec,
                      sqcand_spec,
                      _w_spec(H, H), _w_spec(H, H), _w_spec(1, H)],
            out_specs=_row_spec(H),
            out_shape=jax.ShapeDtypeStruct((B, N, H), jnp.float32),
            compiler_params=cparams,
        )(x, x, sq.reshape(B, 1, N), sq.reshape(B, N, 1),
          Ws, Wn, bb.reshape(1, H))
        feats.append(x)

    out = jnp.concatenate(feats, axis=-1)
    return jnp.transpose(out, (0, 2, 1))

# --- scband reference (transcript-rebuilt; emitter-appended) ---
"""Pipeline reference for scband-gcnfeature-extractor-5549097746945 (READ-ONLY COPY).

The authoritative reference and input builder live on the scoring server;
editing this copy changes nothing except your own understanding.
"""

import jax, jax.numpy as jnp
import numpy as np

K = 20

def leaky(x):
    return jnp.where(x >= 0, x, 0.2 * x)

def knn_idx(x, k):
    # x: [B, N, C] -> idx [B, N, k] of nearest neighbors in feature space
    inner = jnp.einsum('bnc,bmc->bnm', x, x)
    sq = jnp.sum(x * x, axis=-1)
    neg_dist = -(sq[:, :, None] - 2.0 * inner + sq[:, None, :])
    _, idx = jax.lax.top_k(neg_dist, k)
    return idx

def gather_nb(x, idx):
    # x [B,N,C], idx [B,N,k] -> [B,N,k,C]
    return jax.vmap(lambda xb, ib: xb[ib])(x, idx)

def setup_inputs(seed: int = 0) -> dict:
    key = jax.random.key(seed)
    B, N, Cin, H = 4, 2048, 64, 128
    ks = [jax.random.fold_in(key, i) for i in range(16)]
    inp = {}
    inp['feature'] = jax.random.normal(ks[0], (B, N, Cin), dtype=jnp.float32)
    # EdgeConv (layer 0): 2-layer MLP on edge features [x_i, x_j - x_i]
    inp['W1'] = jax.random.normal(ks[1], (2 * Cin, H), dtype=jnp.float32) / np.sqrt(2 * Cin)
    inp['b1'] = jnp.zeros((H,), dtype=jnp.float32)
    inp['W2'] = jax.random.normal(ks[2], (H, H), dtype=jnp.float32) / np.sqrt(H)
    inp['b2'] = jnp.zeros((H,), dtype=jnp.float32)
    # IDGCN layers 1..3: self transform + neighbor-mean transform, residual
    for l in range(1, 4):
        inp['Ws%d' % l] = jax.random.normal(ks[2 * l + 1], (H, H), dtype=jnp.float32) / np.sqrt(H)
        inp['Wn%d' % l] = jax.random.normal(ks[2 * l + 2], (H, H), dtype=jnp.float32) / np.sqrt(H)
        inp['bb%d' % l] = jnp.zeros((H,), dtype=jnp.float32)
    return inp

def reference(feature, W1, b1, W2, b2, Ws1, Wn1, bb1, Ws2, Wn2, bb2, Ws3, Wn3, bb3):
    x = feature  # [B, N, Cin] (channels-last internally; torch uses [B, C, N])
    # ---- layer 0: EdgeConv, dynamic kNN in feature space ----
    idx = knn_idx(x, K)
    xj = gather_nb(x, idx)                      # [B,N,k,C]
    xi = x[:, :, None, :]
    e = jnp.concatenate([jnp.broadcast_to(xi, xj.shape), xj - xi], axis=-1)
    h = leaky(e @ W1 + b1)
    h = leaky(h @ W2 + b2)
    x = jnp.max(h, axis=2)                      # [B,N,H]
    # ---- layers 1..3: IDGCN with residual; collect outputs ----
    feats = []
    for (Ws, Wn, b) in ((Ws1, Wn1, bb1), (Ws2, Wn2, bb2), (Ws3, Wn3, bb3)):
        idx = knn_idx(x, K)
        xj = gather_nb(x, idx)                  # [B,N,k,H]
        agg = jnp.mean(xj, axis=2)              # [B,N,H]
        h = leaky(x @ Ws + agg @ Wn + b)
        x = h + x                               # residual
        feats.append(x)
    out = jnp.concatenate(feats, axis=-1)       # [B,N,3H]
    return jnp.transpose(out, (0, 2, 1))        # [B,3H,N] to match torch cat(dim=1)

if __name__ == "__main__":
    import jax
    _d = setup_inputs()
    print(jax.jit(kernel)(*tuple(_d.values())))

</pallas_src>

<mosaic_0001>
#map = affine_map<(d0, d1) -> (0, 0)>
#map1 = affine_map<(d0, d1) -> (0)>
module attributes {stable_mosaic.version = 14 : i64} {
  func.func @gather_kernel(%arg0: i32, %arg1: i32, %arg2: memref<8192x128xf32, #tpu.memory_space<hbm>>, %arg3: memref<163840xi32, #tpu.memory_space<hbm>>, %arg4: memref<163840x128xf32, #tpu.memory_space<hbm>>, %arg5: memref<256xi32, #tpu.memory_space<vmem>>, %arg6: memref<256xi32, #tpu.memory_space<vmem>>, %arg7: memref<256x128xf32, #tpu.memory_space<vmem>>, %arg8: memref<256x128xf32, #tpu.memory_space<vmem>>, %arg9: memref<!tpu.dma_semaphore, #tpu.memory_space<semaphore_mem>>, %arg10: memref<!tpu.dma_semaphore, #tpu.memory_space<semaphore_mem>>) attributes {dimension_semantics = [#tpu.dimension_semantics<core_parallel>, #tpu.dimension_semantics<subcore_parallel>], iteration_bounds = array<i64: 2, 16>, scalar_prefetch = 0 : i64, scratch_operands = 6 : i64, tpu.core_type = #tpu.core_type<sc_vector_subcore>, window_params = [{transform_indices = #map}, {transform_indices = #map1}, {transform_indices = #map}]} {
    %mul3A = arith.constant 2 : i32
    %mul3A_0 = arith.muli %arg1, %mul3A : i32
    %add3A = arith.addi %mul3A_0, %arg0 : i32
    %mul3A_1 = arith.constant 20 : i32
    %mul3A_2 = arith.muli %add3A, %mul3A_1 : i32
    %add3A_3 = arith.constant 0 : i32
    %add3A_4 = arith.addi %mul3A_2, %add3A_3 : i32
    %mul3A_5 = arith.constant 256 : i32
    %mul3A_6 = arith.muli %add3A_4, %mul3A_5 : i32
    %multiple_of3A = tpu.assume_multiple %mul3A_6, 256 : i32
    "tpu.region"() ({
      %run_scoped3A = tpu.sem_alloc : memref<!tpu.dma_semaphore, #tpu.memory_space<semaphore_mem>>
      %dma_start3A_398 = tpu.memref_slice %arg3[%multiple_of3A] : memref<163840xi32, #tpu.memory_space<hbm>> -> memref<256xi32, #tpu.memory_space<hbm>>
      %dma_start3A_399 = tpu.memref_slice %arg3[%multiple_of3A] : memref<163840xi32, #tpu.memory_space<hbm>> -> memref<256xi32, #tpu.memory_space<hbm>>
      tpu.enqueue_dma source(%dma_start3A_399 : memref<256xi32, #tpu.memory_space<hbm>>) target(%arg5 : memref<256xi32, #tpu.memory_space<vmem>>) target_semaphore(%run_scoped3A : memref<!tpu.dma_semaphore, #tpu.memory_space<semaphore_mem>>)
      %dma_wait3A_400 = tpu.memref_slice %arg3[%multiple_of3A] : memref<163840xi32, #tpu.memory_space<hbm>> -> memref<256xi32, #tpu.memory_space<hbm>>
      %dma_wait3A_401 = tpu.memref_slice %arg3[%multiple_of3A] : memref<163840xi32, #tpu.memory_space<hbm>> -> memref<256xi32, #tpu.memory_space<hbm>>
      tpu.wait_dma2 semaphore(%run_scoped3A : memref<!tpu.dma_semaphore, #tpu.memory_space<semaphore_mem>>) src(%dma_wait3A_401 : memref<256xi32, #tpu.memory_space<hbm>>) dst(%arg5 : memref<256xi32, #tpu.memory_space<vmem>>)
      tpu.yield
    }) : () -> ()
    %dma_start3A = arith.constant 0 : i32
    %dma_start3A_7 = arith.constant 0 : i32
    %dma_start3A_8 = tpu.memref_slice %arg2[%dma_start3A, %dma_start3A_7] : memref<8192x128xf32, #tpu.memory_space<hbm>> -> memref<8192x128xf32, #tpu.memory_space<hbm>>
    tpu.enqueue_indirect_dma source(%dma_start3A_8 : memref<8192x128xf32, #tpu.memory_space<hbm>>) target(%arg7 : memref<256x128xf32, #tpu.memory_space<vmem>>) offsets(%arg5 : memref<256xi32, #tpu.memory_space<vmem>>) semaphore(%arg9 : memref<!tpu.dma_semaphore, #tpu.memory_space<semaphore_mem>>)
    %mul3A_9 = arith.constant 20 : i32
    %mul3A_10 = arith.muli %add3A, %mul3A_9 : i32
    %add3A_11 = arith.constant 1 : i32
    %add3A_12 = arith.addi %mul3A_10, %add3A_11 : i32
    %mul3A_13 = arith.constant 256 : i32
    %mul3A_14 = arith.muli %add3A_12, %mul3A_13 : i32
    %multiple_of3A_15 = tpu.assume_multiple %mul3A_14, 256 : i32
    "tpu.region"() ({
      %run_scoped3A = tpu.sem_alloc : memref<!tpu.dma_semaphore, #tpu.memory_space<semaphore_mem>>
      %dma_start3A_398 = tpu.memref_slice %arg3[%multiple_of3A_15] : memref<163840xi32, #tpu.memory_space<hbm>> -> memref<256xi32, #tpu.memory_space<hbm>>
      %dma_start3A_399 = tpu.memref_slice %arg3[%multiple_of3A_15] : memref<163840xi32, #tpu.memory_space<hbm>> -> memref<256xi32, #tpu.memory_space<hbm>>
      tpu.enqueue_dma source(%dma_start3A_399 : memref<256xi32, #tpu.memory_space<hbm>>) target(%arg6 : memref<256xi32, #tpu.memory_space<vmem>>) target_semaphore(%run_scoped3A : memref<!tpu.dma_semaphore, #tpu.memory_space<semaphore_mem>>)
      %dma_wait3A_400 = tpu.memref_slice %arg3[%multiple_of3A_15] : memref<163840xi32, #tpu.memory_space<hbm>> -> memref<256xi32, #tpu.memory_space<hbm>>
      %dma_wait3A_401 = tpu.memref_slice %arg3[%multiple_of3A_15] : memref<163840xi32, #tpu.memory_space<hbm>> -> memref<256xi32, #tpu.memory_space<hbm>>
      tpu.wait_dma2 semaphore(%run_scoped3A : memref<!tpu.dma_semaphore, #tpu.memory_space<semaphore_mem>>) src(%dma_wait3A_401 : memref<256xi32, #tpu.memory_space<hbm>>) dst(%arg6 : memref<256xi32, #tpu.memory_space<vmem>>)
      tpu.yield
    }) : () -> ()
    %dma_start3A_16 = arith.constant 0 : i32
    %dma_start3A_17 = arith.constant 0 : i32
    %dma_start3A_18 = tpu.memref_slice %arg2[%dma_start3A_16, %dma_start3A_17] : memref<8192x128xf32, #tpu.memory_space<hbm>> -> memref<8192x128xf32, #tpu.memory_space<hbm>>
    tpu.enqueue_indirect_dma source(%dma_start3A_18 : memref<8192x128xf32, #tpu.memory_space<hbm>>) target(%arg8 : memref<256x128xf32, #tpu.memory_space<vmem>>) offsets(%arg6 : memref<256xi32, #tpu.memory_space<vmem>>) semaphore(%arg10 : memref<!tpu.dma_semaphore, #tpu.memory_space<semaphore_mem>>)
    %dma_wait3A = arith.constant 0 : i32
    %dma_wait3A_19 = arith.constant 0 : i32
    %dma_wait3A_20 = tpu.memref_slice %arg2[%dma_wait3A, %dma_wait3A_19] : memref<8192x128xf32, #tpu.memory_space<hbm>> -> memref<8192x128xf32, #tpu.memory_space<hbm>>
    tpu.wait_indirect_dma semaphore(%arg9 : memref<!tpu.dma_semaphore, #tpu.memory_space<semaphore_mem>>) src(%dma_wait3A_20 : memref<8192x128xf32, #tpu.memory_space<hbm>>) dst(%arg7 : memref<256x128xf32, #tpu.memory_space<vmem>>)
    %mul3A_21 = arith.constant 20 : i32
    %mul3A_22 = arith.muli %add3A, %mul3A_21 : i32
    %add3A_23 = arith.constant 0 : i32
    %add3A_24 = arith.addi %mul3A_22, %add3A_23 : i32
    %mul3A_25 = arith.constant 256 : i32
    %mul3A_26 = arith.muli %add3A_24, %mul3A_25 : i32
    %multiple_of3A_27 = tpu.assume_multiple %mul3A_26, 256 : i32
    "tpu.region"() ({
      %run_scoped3A = tpu.sem_alloc : memref<!tpu.dma_semaphore, #tpu.memory_space<semaphore_mem>>
      %dma_start3A_398 = arith.constant 0 : i32
      %dma_start3A_399 = tpu.memref_slice %arg4[%multiple_of3A_27, %dma_start3A_398] : memref<163840x128xf32, #tpu.memory_space<hbm>> -> memref<256x128xf32, #tpu.memory_space<hbm>>
      %dma_start3A_400 = arith.constant 0 : i32
      %dma_start3A_401 = tpu.memref_slice %arg4[%multiple_of3A_27, %dma_start3A_400] : memref<163840x128xf32, #tpu.memory_space<hbm>> -> memref<256x128xf32, #tpu.memory_space<hbm>>
      tpu.enqueue_dma source(%arg7 : memref<256x128xf32, #tpu.memory_space<vmem>>) target(%dma_start3A_401 : memref<256x128xf32, #tpu.memory_space<hbm>>) target_semaphore(%run_scoped3A : memref<!tpu.dma_semaphore, #tpu.memory_space<semaphore_mem>>)
      %dma_wait3A_402 = arith.constant 0 : i32
      %dma_wait3A_403 = tpu.memref_slice %arg4[%multiple_of3A_27, %dma_wait3A_402] : memref<163840x128xf32, #tpu.memory_space<hbm>> -> memref<256x128xf32, #tpu.memory_space<hbm>>
      %dma_wait3A_404 = arith.constant 0 : i32
      %dma_wait3A_405 = tpu.memref_slice %arg4[%multiple_of3A_27, %dma_wait3A_404] : memref<163840x128xf32, #tpu.memory_space<hbm>> -> memref<256x128xf32, #tpu.memory_space<hbm>>
      tpu.wait_dma2 semaphore(%run_scoped3A : memref<!tpu.dma_semaphore, #tpu.memory_space<semaphore_mem>>) src(%arg7 : memref<256x128xf32, #tpu.memory_space<vmem>>) dst(%dma_wait3A_405 : memref<256x128xf32, #tpu.memory_space<hbm>>)
      tpu.yield
    }) : () -> ()
    %mul3A_28 = arith.constant 20 : i32
    %mul3A_29 = arith.muli %add3A, %mul3A_28 : i32
    %add3A_30 = arith.constant 2 : i32
    %add3A_31 = arith.addi %mul3A_29, %add3A_30 : i32
    %mul3A_32 = arith.constant 256 : i32
    %mul3A_33 = arith.muli %add3A_31, %mul3A_32 : i32
    %multiple_of3A_34 = tpu.assume_multiple %mul3A_33, 256 : i32
    "tpu.region"() ({
      %run_scoped3A = tpu.sem_alloc : memref<!tpu.dma_semaphore, #tpu.memory_space<semaphore_mem>>
      %dma_start3A_398 = tpu.memref_slice %arg3[%multiple_of3A_34] : memref<163840xi32, #tpu.memory_space<hbm>> -> memref<256xi32, #tpu.memory_space<hbm>>
      %dma_start3A_399 = tpu.memref_slice %arg3[%multiple_of3A_34] : memref<163840xi32, #tpu.memory_space<hbm>> -> memref<256xi32, #tpu.memory_space<hbm>>
      tpu.enqueue_dma source(%dma_start3A_399 : memref<256xi32, #tpu.memory_space<hbm>>) target(%arg5 : memref<256xi32, #tpu.memory_space<vmem>>) target_semaphore(%run_scoped3A : memref<!tpu.dma_semaphore, #tpu.memory_space<semaphore_mem>>)
      %dma_wait3A_400 = tpu.memref_slice %arg3[%multiple_of3A_34] : memref<163840xi32, #tpu.memory_space<hbm>> -> memref<256xi32, #tpu.memory_space<hbm>>
      %dma_wait3A_401 = tpu.memref_slice %arg3[%multiple_of3A_34] : memref<163840xi32, #tpu.memory_space<hbm>> -> memref<256xi32, #tpu.memory_space<hbm>>
      tpu.wait_dma2 semaphore(%run_scoped3A : memref<!tpu.dma_semaphore, #tpu.memory_space<semaphore_mem>>) src(%dma_wait3A_401 : memref<256xi32, #tpu.memory_space<hbm>>) dst(%arg5 : memref<256xi32, #tpu.memory_space<vmem>>)
      tpu.yield
    }) : () -> ()
    %dma_start3A_35 = arith.constant 0 : i32
    %dma_start3A_36 = arith.constant 0 : i32
    %dma_start3A_37 = tpu.memref_slice %arg2[%dma_start3A_35, %dma_start3A_36] : memref<8192x128xf32, #tpu.memory_space<hbm>> -> memref<8192x128xf32, #tpu.memory_space<hbm>>
    tpu.enqueue_indirect_dma source(%dma_start3A_37 : memref<8192x128xf32, #tpu.memory_space<hbm>>) target(%arg7 : memref<256x128xf32, #tpu.memory_space<vmem>>) offsets(%arg5 : memref<256xi32, #tpu.memory_space<vmem>>) semaphore(%arg9 : memref<!tpu.dma_semaphore, #tpu.memory_space<semaphore_mem>>)
    %dma_wait3A_38 = arith.constant 0 : i32
    %dma_wait3A_39 = arith.constant 0 : i32
    %dma_wait3A_40 = tpu.memref_slice %arg2[%dma_wait3A_38, %dma_wait3A_39] : memref<8192x128xf32, #tpu.memory_space<hbm>> -> memref<8192x128xf32, #tpu.memory_space<hbm>>
    tpu.wait_indirect_dma semaphore(%arg10 : memref<!tpu.dma_semaphore, #tpu.memory_space<semaphore_mem>>) src(%dma_wait3A_40 : memref<8192x128xf32, #tpu.memory_space<hbm>>) dst(%arg8 : memref<256x128xf32, #tpu.memory_space<vmem>>)
    %mul3A_41 = arith.constant 20 : i32
    %mul3A_42 = arith.muli %add3A, %mul3A_41 : i32
    %add3A_43 = arith.constant 1 : i32
    %add3A_44 = arith.addi %mul3A_42, %add3A_43 : i32
    %mul3A_45 = arith.constant 256 : i32
    %mul3A_46 = arith.muli %add3A_44, %mul3A_45 : i32
    %multiple_of3A_47 = tpu.assume_multiple %mul3A_46, 256 : i32
    "tpu.region"() ({
      %run_scoped3A = tpu.sem_alloc : memref<!tpu.dma_semaphore, #tpu.memory_space<semaphore_mem>>
      %dma_start3A_398 = arith.constant 0 : i32
      %dma_start3A_399 = tpu.memref_slice %arg4[%multiple_of3A_47, %dma_start3A_398] : memref<163840x128xf32, #tpu.memory_space<hbm>> -> memref<256x128xf32, #tpu.memory_space<hbm>>
      %dma_start3A_400 = arith.constant 0 : i32
      %dma_start3A_401 = tpu.memref_slice %arg4[%multiple_of3A_47, %dma_start3A_400] : memref<163840x128xf32, #tpu.memory_space<hbm>> -> memref<256x128xf32, #tpu.memory_space<hbm>>
      tpu.enqueue_dma source(%arg8 : memref<256x128xf32, #tpu.memory_space<vmem>>) target(%dma_start3A_401 : memref<256x128xf32, #tpu.memory_space<hbm>>) target_semaphore(%run_scoped3A : memref<!tpu.dma_semaphore, #tpu.memory_space<semaphore_mem>>)
      %dma_wait3A_402 = arith.constant 0 : i32
      %dma_wait3A_403 = tpu.memref_slice %arg4[%multiple_of3A_47, %dma_wait3A_402] : memref<163840x128xf32, #tpu.memory_space<hbm>> -> memref<256x128xf32, #tpu.memory_space<hbm>>
      %dma_wait3A_404 = arith.constant 0 : i32
      %dma_wait3A_405 = tpu.memref_slice %arg4[%multiple_of3A_47, %dma_wait3A_404] : memref<163840x128xf32, #tpu.memory_space<hbm>> -> memref<256x128xf32, #tpu.memory_space<hbm>>
      tpu.wait_dma2 semaphore(%run_scoped3A : memref<!tpu.dma_semaphore, #tpu.memory_space<semaphore_mem>>) src(%arg8 : memref<256x128xf32, #tpu.memory_space<vmem>>) dst(%dma_wait3A_405 : memref<256x128xf32, #tpu.memory_space<hbm>>)
      tpu.yield
    }) : () -> ()
    %mul3A_48 = arith.constant 20 : i32
    %mul3A_49 = arith.muli %add3A, %mul3A_48 : i32
    %add3A_50 = arith.constant 3 : i32
    %add3A_51 = arith.addi %mul3A_49, %add3A_50 : i32
    %mul3A_52 = arith.constant 256 : i32
    %mul3A_53 = arith.muli %add3A_51, %mul3A_52 : i32
    %multiple_of3A_54 = tpu.assume_multiple %mul3A_53, 256 : i32
    "tpu.region"() ({
      %run_scoped3A = tpu.sem_alloc : memref<!tpu.dma_semaphore, #tpu.memory_space<semaphore_mem>>
      %dma_start3A_398 = tpu.memref_slice %arg3[%multiple_of3A_54] : memref<163840xi32, #tpu.memory_space<hbm>> -> memref<256xi32, #tpu.memory_space<hbm>>
      %dma_start3A_399 = tpu.memref_slice %arg3[%multiple_of3A_54] : memref<163840xi32, #tpu.memory_space<hbm>> -> memref<256xi32, #tpu.memory_space<hbm>>
      tpu.enqueue_dma source(%dma_start3A_399 : memref<256xi32, #tpu.memory_space<hbm>>) target(%arg6 : memref<256xi32, #tpu.memory_space<vmem>>) target_semaphore(%run_scoped3A : memref<!tpu.dma_semaphore, #tpu.memory_space<semaphore_mem>>)
      %dma_wait3A_400 = tpu.memref_slice %arg3[%multiple_of3A_54] : memref<163840xi32, #tpu.memory_space<hbm>> -> memref<256xi32, #tpu.memory_space<hbm>>
      %dma_wait3A_401 = tpu.memref_slice %arg3[%multiple_of3A_54] : memref<163840xi32, #tpu.memory_space<hbm>> -> memref<256xi32, #tpu.memory_space<hbm>>
      tpu.wait_dma2 semaphore(%run_scoped3A : memref<!tpu.dma_semaphore, #tpu.memory_space<semaphore_mem>>) src(%dma_wait3A_401 : memref<256xi32, #tpu.memory_space<hbm>>) dst(%arg6 : memref<256xi32, #tpu.memory_space<vmem>>)
      tpu.yield
    }) : () -> ()
    %dma_start3A_55 = arith.constant 0 : i32
    %dma_start3A_56 = arith.constant 0 : i32
    %dma_start3A_57 = tpu.memref_slice %arg2[%dma_start3A_55, %dma_start3A_56] : memref<8192x128xf32, #tpu.memory_space<hbm>> -> memref<8192x128xf32, #tpu.memory_space<hbm>>
    tpu.enqueue_indirect_dma source(%dma_start3A_57 : memref<8192x128xf32, #tpu.memory_space<hbm>>) target(%arg8 : memref<256x128xf32, #tpu.memory_space<vmem>>) offsets(%arg6 : memref<256xi32, #tpu.memory_space<vmem>>) semaphore(%arg10 : memref<!tpu.dma_semaphore, #tpu.memory_space<semaphore_mem>>)
    %dma_wait3A_58 = arith.constant 0 : i32
    %dma_wait3A_59 = arith.constant 0 : i32
    %dma_wait3A_60 = tpu.memref_slice %arg2[%dma_wait3A_58, %dma_wait3A_59] : memref<8192x128xf32, #tpu.memory_space<hbm>> -> memref<8192x128xf32, #tpu.memory_space<hbm>>
    tpu.wait_indirect_dma semaphore(%arg9 : memref<!tpu.dma_semaphore, #tpu.memory_space<semaphore_mem>>) src(%dma_wait3A_60 : memref<8192x128xf32, #tpu.memory_space<hbm>>) dst(%arg7 : memref<256x128xf32, #tpu.memory_space<vmem>>)
    %mul3A_61 = arith.constant 20 : i32
    %mul3A_62 = arith.muli %add3A, %mul3A_61 : i32
    %add3A_63 = arith.constant 2 : i32
    %add3A_64 = arith.addi %mul3A_62, %add3A_63 : i32
    %mul3A_65 = arith.constant 256 : i32
    %mul3A_66 = arith.muli %add3A_64, %mul3A_65 : i32
    %multiple_of3A_67 = tpu.assume_multiple %mul3A_66, 256 : i32
    "tpu.region"() ({
      %run_scoped3A = tpu.sem_alloc : memref<!tpu.dma_semaphore, #tpu.memory_space<semaphore_mem>>
      %dma_start3A_398 = arith.constant 0 : i32
      %dma_start3A_399 = tpu.memref_slice %arg4[%multiple_of3A_67, %dma_start3A_398] : memref<163840x128xf32, #tpu.memory_space<hbm>> -> memref<256x128xf32, #tpu.memory_space<hbm>>
      %dma_start3A_400 = arith.constant 0 : i32
      %dma_start3A_401 = tpu.memref_slice %arg4[%multiple_of3A_67, %dma_start3A_400] : memref<163840x128xf32, #tpu.memory_space<hbm>> -> memref<256x128xf32, #tpu.memory_space<hbm>>
      tpu.enqueue_dma source(%arg7 : memref<256x128xf32, #tpu.memory_space<vmem>>) target(%dma_start3A_401 : memref<256x128xf32, #tpu.memory_space<hbm>>) target_semaphore(%run_scoped3A : memref<!tpu.dma_semaphore, #tpu.memory_space<semaphore_mem>>)
      %dma_wait3A_402 = arith.constant 0 : i32
      %dma_wait3A_403 = tpu.memref_slice %arg4[%multiple_of3A_67, %dma_wait3A_402] : memref<163840x128xf32, #tpu.memory_space<hbm>> -> memref<256x128xf32, #tpu.memory_space<hbm>>
      %dma_wait3A_404 = arith.constant 0 : i32
      %dma_wait3A_405 = tpu.memref_slice %arg4[%multiple_of3A_67, %dma_wait3A_404] : memref<163840x128xf32, #tpu.memory_space<hbm>> -> memref<256x128xf32, #tpu.memory_space<hbm>>
      tpu.wait_dma2 semaphore(%run_scoped3A : memref<!tpu.dma_semaphore, #tpu.memory_space<semaphore_mem>>) src(%arg7 : memref<256x128xf32, #tpu.memory_space<vmem>>) dst(%dma_wait3A_405 : memref<256x128xf32, #tpu.memory_space<hbm>>)
      tpu.yield
    }) : () -> ()
    %mul3A_68 = arith.constant 20 : i32
    %mul3A_69 = arith.muli %add3A, %mul3A_68 : i32
    %add3A_70 = arith.constant 4 : i32
    %add3A_71 = arith.addi %mul3A_69, %add3A_70 : i32
    %mul3A_72 = arith.constant 256 : i32
    %mul3A_73 = arith.muli %add3A_71, %mul3A_72 : i32
    %multiple_of3A_74 = tpu.assume_multiple %mul3A_73, 256 : i32
    "tpu.region"() ({
      %run_scoped3A = tpu.sem_alloc : memref<!tpu.dma_semaphore, #tpu.memory_space<semaphore_mem>>
      %dma_start3A_398 = tpu.memref_slice %arg3[%multiple_of3A_74] : memref<163840xi32, #tpu.memory_space<hbm>> -> memref<256xi32, #tpu.memory_space<hbm>>
      %dma_start3A_399 = tpu.memref_slice %arg3[%multiple_of3A_74] : memref<163840xi32, #tpu.memory_space<hbm>> -> memref<256xi32, #tpu.memory_space<hbm>>
      tpu.enqueue_dma source(%dma_start3A_399 : memref<256xi32, #tpu.memory_space<hbm>>) target(%arg5 : memref<256xi32, #tpu.memory_space<vmem>>) target_semaphore(%run_scoped3A : memref<!tpu.dma_semaphore, #tpu.memory_space<semaphore_mem>>)
      %dma_wait3A_400 = tpu.memref_slice %arg3[%multiple_of3A_74] : memref<163840xi32, #tpu.memory_space<hbm>> -> memref<256xi32, #tpu.memory_space<hbm>>
      %dma_wait3A_401 = tpu.memref_slice %arg3[%multiple_of3A_74] : memref<163840xi32, #tpu.memory_space<hbm>> -> memref<256xi32, #tpu.memory_space<hbm>>
      tpu.wait_dma2 semaphore(%run_scoped3A : memref<!tpu.dma_semaphore, #tpu.memory_space<semaphore_mem>>) src(%dma_wait3A_401 : memref<256xi32, #tpu.memory_space<hbm>>) dst(%arg5 : memref<256xi32, #tpu.memory_space<vmem>>)
      tpu.yield
    }) : () -> ()
    %dma_start3A_75 = arith.constant 0 : i32
    %dma_start3A_76 = arith.constant 0 : i32
    %dma_start3A_77 = tpu.memref_slice %arg2[%dma_start3A_75, %dma_start3A_76] : memref<8192x128xf32, #tpu.memory_space<hbm>> -> memref<8192x128xf32, #tpu.memory_space<hbm>>
    tpu.enqueue_indirect_dma source(%dma_start3A_77 : memref<8192x128xf32, #tpu.memory_space<hbm>>) target(%arg7 : memref<256x128xf32, #tpu.memory_space<vmem>>) offsets(%arg5 : memref<256xi32, #tpu.memory_space<vmem>>) semaphore(%arg9 : memref<!tpu.dma_semaphore, #tpu.memory_space<semaphore_mem>>)
    %dma_wait3A_78 = arith.constant 0 : i32
    %dma_wait3A_79 = arith.constant 0 : i32
    %dma_wait3A_80 = tpu.memref_slice %arg2[%dma_wait3A_78, %dma_wait3A_79] : memref<8192x128xf32, #tpu.memory_space<hbm>> -> memref<8192x128xf32, #tpu.memory_space<hbm>>
    tpu.wait_indirect_dma semaphore(%arg10 : memref<!tpu.dma_semaphore, #tpu.memory_space<semaphore_mem>>) src(%dma_wait3A_80 : memref<8192x128xf32, #tpu.memory_space<hbm>>) dst(%arg8 : memref<256x128xf32, #tpu.memory_space<vmem>>)
    %mul3A_81 = arith.constant 20 : i32
    %mul3A_82 = arith.muli %add3A, %mul3A_81 : i32
    %add3A_83 = arith.constant 3 : i32
    %add3A_84 = arith.addi %mul3A_82, %add3A_83 : i32
    %mul3A_85 = arith.constant 256 : i32
    %mul3A_86 = arith.muli %add3A_84, %mul3A_85 : i32
    %multiple_of3A_87 = tpu.assume_multiple %mul3A_86, 256 : i32
    "tpu.region"() ({
      %run_scoped3A = tpu.sem_alloc : memref<!tpu.dma_semaphore, #tpu.memory_space<semaphore_mem>>
      %dma_start3A_398 = arith.constant 0 : i32
      %dma_start3A_399 = tpu.memref_slice %arg4[%multiple_of3A_87, %dma_start3A_398] : memref<163840x128xf32, #tpu.memory_space<hbm>> -> memref<256x128xf32, #tpu.memory_space<hbm>>
      %dma_start3A_400 = arith.constant 0 : i32
      %dma_start3A_401 = tpu.memref_slice %arg4[%multiple_of3A_87, %dma_start3A_400] : memref<163840x128xf32, #tpu.memory_space<hbm>> -> memref<256x128xf32, #tpu.memory_space<hbm>>
      tpu.enqueue_dma source(%arg8 : memref<256x128xf32, #tpu.memory_space<vmem>>) target(%dma_start3A_401 : memref<256x128xf32, #tpu.memory_space<hbm>>) target_semaphore(%run_scoped3A : memref<!tpu.dma_semaphore, #tpu.memory_space<semaphore_mem>>)
      %dma_wait3A_402 = arith.constant 0 : i32
      %dma_wait3A_403 = tpu.memref_slice %arg4[%multiple_of3A_87, %dma_wait3A_402] : memref<163840x128xf32, #tpu.memory_space<hbm>> -> memref<256x128xf32, #tpu.memory_space<hbm>>
      %dma_wait3A_404 = arith.constant 0 : i32
      %dma_wait3A_405 = tpu.memref_slice %arg4[%multiple_of3A_87, %dma_wait3A_404] : memref<163840x128xf32, #tpu.memory_space<hbm>> -> memref<256x128xf32, #tpu.memory_space<hbm>>
      tpu.wait_dma2 semaphore(%run_scoped3A : memref<!tpu.dma_semaphore, #tpu.memory_space<semaphore_mem>>) src(%arg8 : memref<256x128xf32, #tpu.memory_space<vmem>>) dst(%dma_wait3A_405 : memref<256x128xf32, #tpu.memory_space<hbm>>)
      tpu.yield
    }) : () -> ()
    %mul3A_88 = arith.constant 20 : i32
    %mul3A_89 = arith.muli %add3A, %mul3A_88 : i32
    %add3A_90 = arith.constant 5 : i32
    %add3A_91 = arith.addi %mul3A_89, %add3A_90 : i32
    %mul3A_92 = arith.constant 256 : i32
    %mul3A_93 = arith.muli %add3A_91, %mul3A_92 : i32
    %multiple_of3A_94 = tpu.assume_multiple %mul3A_93, 256 : i32
    "tpu.region"() ({
      %run_scoped3A = tpu.sem_alloc : memref<!tpu.dma_semaphore, #tpu.memory_space<semaphore_mem>>
      %dma_start3A_398 = tpu.memref_slice %arg3[%multiple_of3A_94] : memref<163840xi32, #tpu.memory_space<hbm>> -> memref<256xi32, #tpu.memory_space<hbm>>
      %dma_start3A_399 = tpu.memref_slice %arg3[%multiple_of3A_94] : memref<163840xi32, #tpu.memory_space<hbm>> -> memref<256xi32, #tpu.memory_space<hbm>>
      tpu.enqueue_dma source(%dma_start3A_399 : memref<256xi32, #tpu.memory_space<hbm>>) target(%arg6 : memref<256xi32, #tpu.memory_space<vmem>>) target_semaphore(%run_scoped3A : memref<!tpu.dma_semaphore, #tpu.memory_space<semaphore_mem>>)
      %dma_wait3A_400 = tpu.memref_slice %arg3[%multiple_of3A_94] : memref<163840xi32, #tpu.memory_space<hbm>> -> memref<256xi32, #tpu.memory_space<hbm>>
      %dma_wait3A_401 = tpu.memref_slice %arg3[%multiple_of3A_94] : memref<163840xi32, #tpu.memory_space<hbm>> -> memref<256xi32, #tpu.memory_space<hbm>>
      tpu.wait_dma2 semaphore(%run_scoped3A : memref<!tpu.dma_semaphore, #tpu.memory_space<semaphore_mem>>) src(%dma_wait3A_401 : memref<256xi32, #tpu.memory_space<hbm>>) dst(%arg6 : memref<256xi32, #tpu.memory_space<vmem>>)
      tpu.yield
    }) : () -> ()
    %dma_start3A_95 = arith.constant 0 : i32
    %dma_start3A_96 = arith.constant 0 : i32
    %dma_start3A_97 = tpu.memref_slice %arg2[%dma_start3A_95, %dma_start3A_96] : memref<8192x128xf32, #tpu.memory_space<hbm>> -> memref<8192x128xf32, #tpu.memory_space<hbm>>
    tpu.enqueue_indirect_dma source(%dma_start3A_97 : memref<8192x128xf32, #tpu.memory_space<hbm>>) target(%arg8 : memref<256x128xf32, #tpu.memory_space<vmem>>) offsets(%arg6 : memref<256xi32, #tpu.memory_space<vmem>>) semaphore(%arg10 : memref<!tpu.dma_semaphore, #tpu.memory_space<semaphore_mem>>)
    %dma_wait3A_98 = arith.constant 0 : i32
    %dma_wait3A_99 = arith.constant 0 : i32
    %dma_wait3A_100 = tpu.memref_slice %arg2[%dma_wait3A_98, %dma_wait3A_99] : memref<8192x128xf32, #tpu.memory_space<hbm>> -> memref<8192x128xf32, #tpu.memory_space<hbm>>
    tpu.wait_indirect_dma semaphore(%arg9 : memref<!tpu.dma_semaphore, #tpu.memory_space<semaphore_mem>>) src(%dma_wait3A_100 : memref<8192x128xf32, #tpu.memory_space<hbm>>) dst(%arg7 : memref<256x128xf32, #tpu.memory_space<vmem>>)
    %mul3A_101 = arith.constant 20 : i32
    %mul3A_102 = arith.muli %add3A, %mul3A_101 : i32
    %add3A_103 = arith.constant 4 : i32
    %add3A_104 = arith.addi %mul3A_102, %add3A_103 : i32
    %mul3A_105 = arith.constant 256 : i32
    %mul3A_106 = arith.muli %add3A_104, %mul3A_105 : i32
    %multiple_of3A_107 = tpu.assume_multiple %mul3A_106, 256 : i32
    "tpu.region"() ({
      %run_scoped3A = tpu.sem_alloc : memref<!tpu.dma_semaphore, #tpu.memory_space<semaphore_mem>>
      %dma_start3A_398 = arith.constant 0 : i32
      %dma_start3A_399 = tpu.memref_slice %arg4[%multiple_of3A_107, %dma_start3A_398] : memref<163840x128xf32, #tpu.memory_space<hbm>> -> memref<256x128xf32, #tpu.memory_space<hbm>>
      %dma_start3A_400 = arith.constant 0 : i32
      %dma_start3A_401 = tpu.memref_slice %arg4[%multiple_of3A_107, %dma_start3A_400] : memref<163840x128xf32, #tpu.memory_space<hbm>> -> memref<256x128xf32, #tpu.memory_space<hbm>>
      tpu.enqueue_dma source(%arg7 : memref<256x128xf32, #tpu.memory_space<vmem>>) target(%dma_start3A_401 : memref<256x128xf32, #tpu.memory_space<hbm>>) target_semaphore(%run_scoped3A : memref<!tpu.dma_semaphore, #tpu.memory_space<semaphore_mem>>)
      %dma_wait3A_402 = arith.constant 0 : i32
      %dma_wait3A_403 = tpu.memref_slice %arg4[%multiple_of3A_107, %dma_wait3A_402] : memref<163840x128xf32, #tpu.memory_space<hbm>> -> memref<256x128xf32, #tpu.memory_space<hbm>>
      %dma_wait3A_404 = arith.constant 0 : i32
      %dma_wait3A_405 = tpu.memref_slice %arg4[%multiple_of3A_107, %dma_wait3A_404] : memref<163840x128xf32, #tpu.memory_space<hbm>> -> memref<256x128xf32, #tpu.memory_space<hbm>>
      tpu.wait_dma2 semaphore(%run_scoped3A : memref<!tpu.dma_semaphore, #tpu.memory_space<semaphore_mem>>) src(%arg7 : memref<256x128xf32, #tpu.memory_space<vmem>>) dst(%dma_wait3A_405 : memref<256x128xf32, #tpu.memory_space<hbm>>)
      tpu.yield
    }) : () -> ()
    %mul3A_108 = arith.constant 20 : i32
    %mul3A_109 = arith.muli %add3A, %mul3A_108 : i32
    %add3A_110 = arith.constant 6 : i32
    %add3A_111 = arith.addi %mul3A_109, %add3A_110 : i32
    %mul3A_112 = arith.constant 256 : i32
    %mul3A_113 = arith.muli %add3A_111, %mul3A_112 : i32
    %multiple_of3A_114 = tpu.assume_multiple %mul3A_113, 256 : i32
    "tpu.region"() ({
      %run_scoped3A = tpu.sem_alloc : memref<!tpu.dma_semaphore, #tpu.memory_space<semaphore_mem>>
      %dma_start3A_398 = tpu.memref_slice %arg3[%multiple_of3A_114] : memref<163840xi32, #tpu.memory_space<hbm>> -> memref<256xi32, #tpu.memory_space<hbm>>
      %dma_start3A_399 = tpu.memref_slice %arg3[%multiple_of3A_114] : memref<163840xi32, #tpu.memory_space<hbm>> -> memref<256xi32, #tpu.memory_space<hbm>>
      tpu.enqueue_dma source(%dma_start3A_399 : memref<256xi32, #tpu.memory_space<hbm>>) target(%arg5 : memref<256xi32, #tpu.memory_space<vmem>>) target_semaphore(%run_scoped3A : memref<!tpu.dma_semaphore, #tpu.memory_space<semaphore_mem>>)
      %dma_wait3A_400 = tpu.memref_slice %arg3[%multiple_of3A_114] : memref<163840xi32, #tpu.memory_space<hbm>> -> memref<256xi32, #tpu.memory_space<hbm>>
      %dma_wait3A_401 = tpu.memref_slice %arg3[%multiple_of3A_114] : memref<163840xi32, #tpu.memory_space<hbm>> -> memref<256xi32, #tpu.memory_space<hbm>>
      tpu.wait_dma2 semaphore(%run_scoped3A : memref<!tpu.dma_semaphore, #tpu.memory_space<semaphore_mem>>) src(%dma_wait3A_401 : memref<256xi32, #tpu.memory_space<hbm>>) dst(%arg5 : memref<256xi32, #tpu.memory_space<vmem>>)
      tpu.yield
    }) : () -> ()
    %dma_start3A_115 = arith.constant 0 : i32
    %dma_start3A_116 = arith.constant 0 : i32
    %dma_start3A_117 = tpu.memref_slice %arg2[%dma_start3A_115, %dma_start3A_116] : memref<8192x128xf32, #tpu.memory_space<hbm>> -> memref<8192x128xf32, #tpu.memory_space<hbm>>
    tpu.enqueue_indirect_dma source(%dma_start3A_117 : memref<8192x128xf32, #tpu.memory_space<hbm>>) target(%arg7 : memref<256x128xf32, #tpu.memory_space<vmem>>) offsets(%arg5 : memref<256xi32, #tpu.memory_space<vmem>>) semaphore(%arg9 : memref<!tpu.dma_semaphore, #tpu.memory_space<semaphore_mem>>)
    %dma_wait3A_118 = arith.constant 0 : i32
    %dma_wait3A_119 = arith.constant 0 : i32
    %dma_wait3A_120 = tpu.memref_slice %arg2[%dma_wait3A_118, %dma_wait3A_119] : memref<8192x128xf32, #tpu.memory_space<hbm>> -> memref<8192x128xf32, #tpu.memory_space<hbm>>
    tpu.wait_indirect_dma semaphore(%arg10 : memref<!tpu.dma_semaphore, #tpu.memory_space<semaphore_mem>>) src(%dma_wait3A_120 : memref<8192x128xf32, #tpu.memory_space<hbm>>) dst(%arg8 : memref<256x128xf32, #tpu.memory_space<vmem>>)
    %mul3A_121 = arith.constant 20 : i32
    %mul3A_122 = arith.muli %add3A, %mul3A_121 : i32
    %add3A_123 = arith.constant 5 : i32
    %add3A_124 = arith.addi %mul3A_122, %add3A_123 : i32
    %mul3A_125 = arith.constant 256 : i32
    %mul3A_126 = arith.muli %add3A_124, %mul3A_125 : i32
    %multiple_of3A_127 = tpu.assume_multiple %mul3A_126, 256 : i32
    "tpu.region"() ({
      %run_scoped3A = tpu.sem_alloc : memref<!tpu.dma_semaphore, #tpu.memory_space<semaphore_mem>>
      %dma_start3A_398 = arith.constant 0 : i32
      %dma_start3A_399 = tpu.memref_slice %arg4[%multiple_of3A_127, %dma_start3A_398] : memref<163840x128xf32, #tpu.memory_space<hbm>> -> memref<256x128xf32, #tpu.memory_space<hbm>>
      %dma_start3A_400 = arith.constant 0 : i32
      %dma_start3A_401 = tpu.memref_slice %arg4[%multiple_of3A_127, %dma_start3A_400] : memref<163840x128xf32, #tpu.memory_space<hbm>> -> memref<256x128xf32, #tpu.memory_space<hbm>>
      tpu.enqueue_dma source(%arg8 : memref<256x128xf32, #tpu.memory_space<vmem>>) target(%dma_start3A_401 : memref<256x128xf32, #tpu.memory_space<hbm>>) target_semaphore(%run_scoped3A : memref<!tpu.dma_semaphore, #tpu.memory_space<semaphore_mem>>)
      %dma_wait3A_402 = arith.constant 0 : i32
      %dma_wait3A_403 = tpu.memref_slice %arg4[%multiple_of3A_127, %dma_wait3A_402] : memref<163840x128xf32, #tpu.memory_space<hbm>> -> memref<256x128xf32, #tpu.memory_space<hbm>>
      %dma_wait3A_404 = arith.constant 0 : i32
      %dma_wait3A_405 = tpu.memref_slice %arg4[%multiple_of3A_127, %dma_wait3A_404] : memref<163840x128xf32, #tpu.memory_space<hbm>> -> memref<256x128xf32, #tpu.memory_space<hbm>>
      tpu.wait_dma2 semaphore(%run_scoped3A : memref<!tpu.dma_semaphore, #tpu.memory_space<semaphore_mem>>) src(%arg8 : memref<256x128xf32, #tpu.memory_space<vmem>>) dst(%dma_wait3A_405 : memref<256x128xf32, #tpu.memory_space<hbm>>)
      tpu.yield
    }) : () -> ()
    %mul3A_128 = arith.constant 20 : i32
    %mul3A_129 = arith.muli %add3A, %mul3A_128 : i32
    %add3A_130 = arith.constant 7 : i32
    %add3A_131 = arith.addi %mul3A_129, %add3A_130 : i32
    %mul3A_132 = arith.constant 256 : i32
    %mul3A_133 = arith.muli %add3A_131, %mul3A_132 : i32
    %multiple_of3A_134 = tpu.assume_multiple %mul3A_133, 256 : i32
    "tpu.region"() ({
      %run_scoped3A = tpu.sem_alloc : memref<!tpu.dma_semaphore, #tpu.memory_space<semaphore_mem>>
      %dma_start3A_398 = tpu.memref_slice %arg3[%multiple_of3A_134] : memref<163840xi32, #tpu.memory_space<hbm>> -> memref<256xi32, #tpu.memory_space<hbm>>
      %dma_start3A_399 = tpu.memref_slice %arg3[%multiple_of3A_134] : memref<163840xi32, #tpu.memory_space<hbm>> -> memref<256xi32, #tpu.memory_space<hbm>>
      tpu.enqueue_dma source(%dma_start3A_399 : memref<256xi32, #tpu.memory_space<hbm>>) target(%arg6 : memref<256xi32, #tpu.memory_space<vmem>>) target_semaphore(%run_scoped3A : memref<!tpu.dma_semaphore, #tpu.memory_space<semaphore_mem>>)
      %dma_wait3A_400 = tpu.memref_slice %arg3[%multiple_of3A_134] : memref<163840xi32, #tpu.memory_space<hbm>> -> memref<256xi32, #tpu.memory_space<hbm>>
      %dma_wait3A_401 = tpu.memref_slice %arg3[%multiple_of3A_134] : memref<163840xi32, #tpu.memory_space<hbm>> -> memref<256xi32, #tpu.memory_space<hbm>>
      tpu.wait_dma2 semaphore(%run_scoped3A : memref<!tpu.dma_semaphore, #tpu.memory_space<semaphore_mem>>) src(%dma_wait3A_401 : memref<256xi32, #tpu.memory_space<hbm>>) dst(%arg6 : memref<256xi32, #tpu.memory_space<vmem>>)
      tpu.yield
    }) : () -> ()
    %dma_start3A_135 = arith.constant 0 : i32
    %dma_start3A_136 = arith.constant 0 : i32
    %dma_start3A_137 = tpu.memref_slice %arg2[%dma_start3A_135, %dma_start3A_136] : memref<8192x128xf32, #tpu.memory_space<hbm>> -> memref<8192x128xf32, #tpu.memory_space<hbm>>
    tpu.enqueue_indirect_dma source(%dma_start3A_137 : memref<8192x128xf32, #tpu.memory_space<hbm>>) target(%arg8 : memref<256x128xf32, #tpu.memory_space<vmem>>) offsets(%arg6 : memref<256xi32, #tpu.memory_space<vmem>>) semaphore(%arg10 : memref<!tpu.dma_semaphore, #tpu.memory_space<semaphore_mem>>)
    %dma_wait3A_138 = arith.constant 0 : i32
    %dma_wait3A_139 = arith.constant 0 : i32
    %dma_wait3A_140 = tpu.memref_slice %arg2[%dma_wait3A_138, %dma_wait3A_139] : memref<8192x128xf32, #tpu.memory_space<hbm>> -> memref<8192x128xf32, #tpu.memory_space<hbm>>
    tpu.wait_indirect_dma semaphore(%arg9 : memref<!tpu.dma_semaphore, #tpu.memory_space<semaphore_mem>>) src(%dma_wait3A_140 : memref<8192x128xf32, #tpu.memory_space<hbm>>) dst(%arg7 : memref<256x128xf32, #tpu.memory_space<vmem>>)
    %mul3A_141 = arith.constant 20 : i32
    %mul3A_142 = arith.muli %add3A, %mul3A_141 : i32
    %add3A_143 = arith.constant 6 : i32
    %add3A_144 = arith.addi %mul3A_142, %add3A_143 : i32
    %mul3A_145 = arith.constant 256 : i32
    %mul3A_146 = arith.muli %add3A_144, %mul3A_145 : i32
    %multiple_of3A_147 = tpu.assume_multiple %mul3A_146, 256 : i32
    "tpu.region"() ({
      %run_scoped3A = tpu.sem_alloc : memref<!tpu.dma_semaphore, #tpu.memory_space<semaphore_mem>>
      %dma_start3A_398 = arith.constant 0 : i32
      %dma_start3A_399 = tpu.memref_slice %arg4[%multiple_of3A_147, %dma_start3A_398] : memref<163840x128xf32, #tpu.memory_space<hbm>> -> memref<256x128xf32, #tpu.memory_space<hbm>>
      %dma_start3A_400 = arith.constant 0 : i32
      %dma_start3A_401 = tpu.memref_slice %arg4[%multiple_of3A_147, %dma_start3A_400] : memref<163840x128xf32, #tpu.memory_space<hbm>> -> memref<256x128xf32, #tpu.memory_space<hbm>>
      tpu.enqueue_dma source(%arg7 : memref<256x128xf32, #tpu.memory_space<vmem>>) target(%dma_start3A_401 : memref<256x128xf32, #tpu.memory_space<hbm>>) target_semaphore(%run_scoped3A : memref<!tpu.dma_semaphore, #tpu.memory_space<semaphore_mem>>)
      %dma_wait3A_402 = arith.constant 0 : i32
      %dma_wait3A_403 = tpu.memref_slice %arg4[%multiple_of3A_147, %dma_wait3A_402] : memref<163840x128xf32, #tpu.memory_space<hbm>> -> memref<256x128xf32, #tpu.memory_space<hbm>>
      %dma_wait3A_404 = arith.constant 0 : i32
      %dma_wait3A_405 = tpu.memref_slice %arg4[%multiple_of3A_147, %dma_wait3A_404] : memref<163840x128xf32, #tpu.memory_space<hbm>> -> memref<256x128xf32, #tpu.memory_space<hbm>>
      tpu.wait_dma2 semaphore(%run_scoped3A : memref<!tpu.dma_semaphore, #tpu.memory_space<semaphore_mem>>) src(%arg7 : memref<256x128xf32, #tpu.memory_space<vmem>>) dst(%dma_wait3A_405 : memref<256x128xf32, #tpu.memory_space<hbm>>)
      tpu.yield
    }) : () -> ()
    %mul3A_148 = arith.constant 20 : i32
    %mul3A_149 = arith.muli %add3A, %mul3A_148 : i32
    %add3A_150 = arith.constant 8 : i32
    %add3A_151 = arith.addi %mul3A_149, %add3A_150 : i32
    %mul3A_152 = arith.constant 256 : i32
    %mul3A_153 = arith.muli %add3A_151, %mul3A_152 : i32
    %multiple_of3A_154 = tpu.assume_multiple %mul3A_153, 256 : i32
    "tpu.region"() ({
      %run_scoped3A = tpu.sem_alloc : memref<!tpu.dma_semaphore, #tpu.memory_space<semaphore_mem>>
      %dma_start3A_398 = tpu.memref_slice %arg3[%multiple_of3A_154] : memref<163840xi32, #tpu.memory_space<hbm>> -> memref<256xi32, #tpu.memory_space<hbm>>
      %dma_start3A_399 = tpu.memref_slice %arg3[%multiple_of3A_154] : memref<163840xi32, #tpu.memory_space<hbm>> -> memref<256xi32, #tpu.memory_space<hbm>>
      tpu.enqueue_dma source(%dma_start3A_399 : memref<256xi32, #tpu.memory_space<hbm>>) target(%arg5 : memref<256xi32, #tpu.memory_space<vmem>>) target_semaphore(%run_scoped3A : memref<!tpu.dma_semaphore, #tpu.memory_space<semaphore_mem>>)
      %dma_wait3A_400 = tpu.memref_slice %arg3[%multiple_of3A_154] : memref<163840xi32, #tpu.memory_space<hbm>> -> memref<256xi32, #tpu.memory_space<hbm>>
      %dma_wait3A_401 = tpu.memref_slice %arg3[%multiple_of3A_154] : memref<163840xi32, #tpu.memory_space<hbm>> -> memref<256xi32, #tpu.memory_space<hbm>>
      tpu.wait_dma2 semaphore(%run_scoped3A : memref<!tpu.dma_semaphore, #tpu.memory_space<semaphore_mem>>) src(%dma_wait3A_401 : memref<256xi32, #tpu.memory_space<hbm>>) dst(%arg5 : memref<256xi32, #tpu.memory_space<vmem>>)
      tpu.yield
    }) : () -> ()
    %dma_start3A_155 = arith.constant 0 : i32
    %dma_start3A_156 = arith.constant 0 : i32
    %dma_start3A_157 = tpu.memref_slice %arg2[%dma_start3A_155, %dma_start3A_156] : memref<8192x128xf32, #tpu.memory_space<hbm>> -> memref<8192x128xf32, #tpu.memory_space<hbm>>
    tpu.enqueue_indirect_dma source(%dma_start3A_157 : memref<8192x128xf32, #tpu.memory_space<hbm>>) target(%arg7 : memref<256x128xf32, #tpu.memory_space<vmem>>) offsets(%arg5 : memref<256xi32, #tpu.memory_space<vmem>>) semaphore(%arg9 : memref<!tpu.dma_semaphore, #tpu.memory_space<semaphore_mem>>)
    %dma_wait3A_158 = arith.constant 0 : i32
    %dma_wait3A_159 = arith.constant 0 : i32
    %dma_wait3A_160 = tpu.memref_slice %arg2[%dma_wait3A_158, %dma_wait3A_159] : memref<8192x128xf32, #tpu.memory_space<hbm>> -> memref<8192x128xf32, #tpu.memory_space<hbm>>
    tpu.wait_indirect_dma semaphore(%arg10 : memref<!tpu.dma_semaphore, #tpu.memory_space<semaphore_mem>>) src(%dma_wait3A_160 : memref<8192x128xf32, #tpu.memory_space<hbm>>) dst(%arg8 : memref<256x128xf32, #tpu.memory_space<vmem>>)
    %mul3A_161 = arith.constant 20 : i32
    %mul3A_162 = arith.muli %add3A, %mul3A_161 : i32
    %add3A_163 = arith.constant 7 : i32
    %add3A_164 = arith.addi %mul3A_162, %add3A_163 : i32
    %mul3A_165 = arith.constant 256 : i32
    %mul3A_166 = arith.muli %add3A_164, %mul3A_165 : i32
    %multiple_of3A_167 = tpu.assume_multiple %mul3A_166, 256 : i32
    "tpu.region"() ({
      %run_scoped3A = tpu.sem_alloc : memref<!tpu.dma_semaphore, #tpu.memory_space<semaphore_mem>>
      %dma_start3A_398 = arith.constant 0 : i32
      %dma_start3A_399 = tpu.memref_slice %arg4[%multiple_of3A_167, %dma_start3A_398] : memref<163840x128xf32, #tpu.memory_space<hbm>> -> memref<256x128xf32, #tpu.memory_space<hbm>>
      %dma_start3A_400 = arith.constant 0 : i32
      %dma_start3A_401 = tpu.memref_slice %arg4[%multiple_of3A_167, %dma_start3A_400] : memref<163840x128xf32, #tpu.memory_space<hbm>> -> memref<256x128xf32, #tpu.memory_space<hbm>>
      tpu.enqueue_dma source(%arg8 : memref<256x128xf32, #tpu.memory_space<vmem>>) target(%dma_start3A_401 : memref<256x128xf32, #tpu.memory_space<hbm>>) target_semaphore(%run_scoped3A : memref<!tpu.dma_semaphore, #tpu.memory_space<semaphore_mem>>)
      %dma_wait3A_402 = arith.constant 0 : i32
      %dma_wait3A_403 = tpu.memref_slice %arg4[%multiple_of3A_167, %dma_wait3A_402] : memref<163840x128xf32, #tpu.memory_space<hbm>> -> memref<256x128xf32, #tpu.memory_space<hbm>>
      %dma_wait3A_404 = arith.constant 0 : i32
      %dma_wait3A_405 = tpu.memref_slice %arg4[%multiple_of3A_167, %dma_wait3A_404] : memref<163840x128xf32, #tpu.memory_space<hbm>> -> memref<256x128xf32, #tpu.memory_space<hbm>>
      tpu.wait_dma2 semaphore(%run_scoped3A : memref<!tpu.dma_semaphore, #tpu.memory_space<semaphore_mem>>) src(%arg8 : memref<256x128xf32, #tpu.memory_space<vmem>>) dst(%dma_wait3A_405 : memref<256x128xf32, #tpu.memory_space<hbm>>)
      tpu.yield
    }) : () -> ()
    %mul3A_168 = arith.constant 20 : i32
    %mul3A_169 = arith.muli %add3A, %mul3A_168 : i32
    %add3A_170 = arith.constant 9 : i32
    %add3A_171 = arith.addi %mul3A_169, %add3A_170 : i32
    %mul3A_172 = arith.constant 256 : i32
    %mul3A_173 = arith.muli %add3A_171, %mul3A_172 : i32
    %multiple_of3A_174 = tpu.assume_multiple %mul3A_173, 256 : i32
    "tpu.region"() ({
      %run_scoped3A = tpu.sem_alloc : memref<!tpu.dma_semaphore, #tpu.memory_space<semaphore_mem>>
      %dma_start3A_398 = tpu.memref_slice %arg3[%multiple_of3A_174] : memref<163840xi32, #tpu.memory_space<hbm>> -> memref<256xi32, #tpu.memory_space<hbm>>
      %dma_start3A_399 = tpu.memref_slice %arg3[%multiple_of3A_174] : memref<163840xi32, #tpu.memory_space<hbm>> -> memref<256xi32, #tpu.memory_space<hbm>>
      tpu.enqueue_dma source(%dma_start3A_399 : memref<256xi32, #tpu.memory_space<hbm>>) target(%arg6 : memref<256xi32, #tpu.memory_space<vmem>>) target_semaphore(%run_scoped3A : memref<!tpu.dma_semaphore, #tpu.memory_space<semaphore_mem>>)
      %dma_wait3A_400 = tpu.memref_slice %arg3[%multiple_of3A_174] : memref<163840xi32, #tpu.memory_space<hbm>> -> memref<256xi32, #tpu.memory_space<hbm>>
      %dma_wait3A_401 = tpu.memref_slice %arg3[%multiple_of3A_174] : memref<163840xi32, #tpu.memory_space<hbm>> -> memref<256xi32, #tpu.memory_space<hbm>>
      tpu.wait_dma2 semaphore(%run_scoped3A : memref<!tpu.dma_semaphore, #tpu.memory_space<semaphore_mem>>) src(%dma_wait3A_401 : memref<256xi32, #tpu.memory_space<hbm>>) dst(%arg6 : memref<256xi32, #tpu.memory_space<vmem>>)
      tpu.yield
    }) : () -> ()
    %dma_start3A_175 = arith.constant 0 : i32
    %dma_start3A_176 = arith.constant 0 : i32
    %dma_start3A_177 = tpu.memref_slice %arg2[%dma_start3A_175, %dma_start3A_176] : memref<8192x128xf32, #tpu.memory_space<hbm>> -> memref<8192x128xf32, #tpu.memory_space<hbm>>
    tpu.enqueue_indirect_dma source(%dma_start3A_177 : memref<8192x128xf32, #tpu.memory_space<hbm>>) target(%arg8 : memref<256x128xf32, #tpu.memory_space<vmem>>) offsets(%arg6 : memref<256xi32, #tpu.memory_space<vmem>>) semaphore(%arg10 : memref<!tpu.dma_semaphore, #tpu.memory_space<semaphore_mem>>)
    %dma_wait3A_178 = arith.constant 0 : i32
    %dma_wait3A_179 = arith.constant 0 : i32
    %dma_wait3A_180 = tpu.memref_slice %arg2[%dma_wait3A_178, %dma_wait3A_179] : memref<8192x128xf32, #tpu.memory_space<hbm>> -> memref<8192x128xf32, #tpu.memory_space<hbm>>
    tpu.wait_indirect_dma semaphore(%arg9 : memref<!tpu.dma_semaphore, #tpu.memory_space<semaphore_mem>>) src(%dma_wait3A_180 : memref<8192x128xf32, #tpu.memory_space<hbm>>) dst(%arg7 : memref<256x128xf32, #tpu.memory_space<vmem>>)
    %mul3A_181 = arith.constant 20 : i32
    %mul3A_182 = arith.muli %add3A, %mul3A_181 : i32
    %add3A_183 = arith.constant 8 : i32
    %add3A_184 = arith.addi %mul3A_182, %add3A_183 : i32
    %mul3A_185 = arith.constant 256 : i32
    %mul3A_186 = arith.muli %add3A_184, %mul3A_185 : i32
    %multiple_of3A_187 = tpu.assume_multiple %mul3A_186, 256 : i32
    "tpu.region"() ({
      %run_scoped3A = tpu.sem_alloc : memref<!tpu.dma_semaphore, #tpu.memory_space<semaphore_mem>>
      %dma_start3A_398 = arith.constant 0 : i32
      %dma_start3A_399 = tpu.memref_slice %arg4[%multiple_of3A_187, %dma_start3A_398] : memref<163840x128xf32, #tpu.memory_space<hbm>> -> memref<256x128xf32, #tpu.memory_space<hbm>>
      %dma_start3A_400 = arith.constant 0 : i32
      %dma_start3A_401 = tpu.memref_slice %arg4[%multiple_of3A_187, %dma_start3A_400] : memref<163840x128xf32, #tpu.memory_space<hbm>> -> memref<256x128xf32, #tpu.memory_space<hbm>>
      tpu.enqueue_dma source(%arg7 : memref<256x128xf32, #tpu.memory_space<vmem>>) target(%dma_start3A_401 : memref<256x128xf32, #tpu.memory_space<hbm>>) target_semaphore(%run_scoped3A : memref<!tpu.dma_semaphore, #tpu.memory_space<semaphore_mem>>)
      %dma_wait3A_402 = arith.constant 0 : i32
      %dma_wait3A_403 = tpu.memref_slice %arg4[%multiple_of3A_187, %dma_wait3A_402] : memref<163840x128xf32, #tpu.memory_space<hbm>> -> memref<256x128xf32, #tpu.memory_space<hbm>>
      %dma_wait3A_404 = arith.constant 0 : i32
      %dma_wait3A_405 = tpu.memref_slice %arg4[%multiple_of3A_187, %dma_wait3A_404] : memref<163840x128xf32, #tpu.memory_space<hbm>> -> memref<256x128xf32, #tpu.memory_space<hbm>>
      tpu.wait_dma2 semaphore(%run_scoped3A : memref<!tpu.dma_semaphore, #tpu.memory_space<semaphore_mem>>) src(%arg7 : memref<256x128xf32, #tpu.memory_space<vmem>>) dst(%dma_wait3A_405 : memref<256x128xf32, #tpu.memory_space<hbm>>)
      tpu.yield
    }) : () -> ()
    %mul3A_188 = arith.constant 20 : i32
    %mul3A_189 = arith.muli %add3A, %mul3A_188 : i32
    %add3A_190 = arith.constant 10 : i32
    %add3A_191 = arith.addi %mul3A_189, %add3A_190 : i32
    %mul3A_192 = arith.constant 256 : i32
    %mul3A_193 = arith.muli %add3A_191, %mul3A_192 : i32
    %multiple_of3A_194 = tpu.assume_multiple %mul3A_193, 256 : i32
    "tpu.region"() ({
      %run_scoped3A = tpu.sem_alloc : memref<!tpu.dma_semaphore, #tpu.memory_space<semaphore_mem>>
      %dma_start3A_398 = tpu.memref_slice %arg3[%multiple_of3A_194] : memref<163840xi32, #tpu.memory_space<hbm>> -> memref<256xi32, #tpu.memory_space<hbm>>
      %dma_start3A_399 = tpu.memref_slice %arg3[%multiple_of3A_194] : memref<163840xi32, #tpu.memory_space<hbm>> -> memref<256xi32, #tpu.memory_space<hbm>>
      tpu.enqueue_dma source(%dma_start3A_399 : memref<256xi32, #tpu.memory_space<hbm>>) target(%arg5 : memref<256xi32, #tpu.memory_space<vmem>>) target_semaphore(%run_scoped3A : memref<!tpu.dma_semaphore, #tpu.memory_space<semaphore_mem>>)
      %dma_wait3A_400 = tpu.memref_slice %arg3[%multiple_of3A_194] : memref<163840xi32, #tpu.memory_space<hbm>> -> memref<256xi32, #tpu.memory_space<hbm>>
      %dma_wait3A_401 = tpu.memref_slice %arg3[%multiple_of3A_194] : memref<163840xi32, #tpu.memory_space<hbm>> -> memref<256xi32, #tpu.memory_space<hbm>>
      tpu.wait_dma2 semaphore(%run_scoped3A : memref<!tpu.dma_semaphore, #tpu.memory_space<semaphore_mem>>) src(%dma_wait3A_401 : memref<256xi32, #tpu.memory_space<hbm>>) dst(%arg5 : memref<256xi32, #tpu.memory_space<vmem>>)
      tpu.yield
    }) : () -> ()
    %dma_start3A_195 = arith.constant 0 : i32
    %dma_start3A_196 = arith.constant 0 : i32
    %dma_start3A_197 = tpu.memref_slice %arg2[%dma_start3A_195, %dma_start3A_196] : memref<8192x128xf32, #tpu.memory_space<hbm>> -> memref<8192x128xf32, #tpu.memory_space<hbm>>
    tpu.enqueue_indirect_dma source(%dma_start3A_197 : memref<8192x128xf32, #tpu.memory_space<hbm>>) target(%arg7 : memref<256x128xf32, #tpu.memory_space<vmem>>) offsets(%arg5 : memref<256xi32, #tpu.memory_space<vmem>>) semaphore(%arg9 : memref<!tpu.dma_semaphore, #tpu.memory_space<semaphore_mem>>)
    %dma_wait3A_198 = arith.constant 0 : i32
    %dma_wait3A_199 = arith.constant 0 : i32
    %dma_wait3A_200 = tpu.memref_slice %arg2[%dma_wait3A_198, %dma_wait3A_199] : memref<8192x128xf32, #tpu.memory_space<hbm>> -> memref<8192x128xf32, #tpu.memory_space<hbm>>
    tpu.wait_indirect_dma semaphore(%arg10 : memref<!tpu.dma_semaphore, #tpu.memory_space<semaphore_mem>>) src(%dma_wait3A_200 : memref<8192x128xf32, #tpu.memory_space<hbm>>) dst(%arg8 : memref<256x128xf32, #tpu.memory_space<vmem>>)
    %mul3A_201 = arith.constant 20 : i32
    %mul3A_202 = arith.muli %add3A, %mul3A_201 : i32
    %add3A_203 = arith.constant 9 : i32
    %add3A_204 = arith.addi %mul3A_202, %add3A_203 : i32
    %mul3A_205 = arith.constant 256 : i32
    %mul3A_206 = arith.muli %add3A_204, %mul3A_205 : i32
    %multiple_of3A_207 = tpu.assume_multiple %mul3A_206, 256 : i32
    "tpu.region"() ({
      %run_scoped3A = tpu.sem_alloc : memref<!tpu.dma_semaphore, #tpu.memory_space<semaphore_mem>>
      %dma_start3A_398 = arith.constant 0 : i32
      %dma_start3A_399 = tpu.memref_slice %arg4[%multiple_of3A_207, %dma_start3A_398] : memref<163840x128xf32, #tpu.memory_space<hbm>> -> memref<256x128xf32, #tpu.memory_space<hbm>>
      %dma_start3A_400 = arith.constant 0 : i32
      %dma_start3A_401 = tpu.memref_slice %arg4[%multiple_of3A_207, %dma_start3A_400] : memref<163840x128xf32, #tpu.memory_space<hbm>> -> memref<256x128xf32, #tpu.memory_space<hbm>>
      tpu.enqueue_dma source(%arg8 : memref<256x128xf32, #tpu.memory_space<vmem>>) target(%dma_start3A_401 : memref<256x128xf32, #tpu.memory_space<hbm>>) target_semaphore(%run_scoped3A : memref<!tpu.dma_semaphore, #tpu.memory_space<semaphore_mem>>)
      %dma_wait3A_402 = arith.constant 0 : i32
      %dma_wait3A_403 = tpu.memref_slice %arg4[%multiple_of3A_207, %dma_wait3A_402] : memref<163840x128xf32, #tpu.memory_space<hbm>> -> memref<256x128xf32, #tpu.memory_space<hbm>>
      %dma_wait3A_404 = arith.constant 0 : i32
      %dma_wait3A_405 = tpu.memref_slice %arg4[%multiple_of3A_207, %dma_wait3A_404] : memref<163840x128xf32, #tpu.memory_space<hbm>> -> memref<256x128xf32, #tpu.memory_space<hbm>>
      tpu.wait_dma2 semaphore(%run_scoped3A : memref<!tpu.dma_semaphore, #tpu.memory_space<semaphore_mem>>) src(%arg8 : memref<256x128xf32, #tpu.memory_space<vmem>>) dst(%dma_wait3A_405 : memref<256x128xf32, #tpu.memory_space<hbm>>)
      tpu.yield
    }) : () -> ()
    %mul3A_208 = arith.constant 20 : i32
    %mul3A_209 = arith.muli %add3A, %mul3A_208 : i32
    %add3A_210 = arith.constant 11 : i32
    %add3A_211 = arith.addi %mul3A_209, %add3A_210 : i32
    %mul3A_212 = arith.constant 256 : i32
    %mul3A_213 = arith.muli %add3A_211, %mul3A_212 : i32
    %multiple_of3A_214 = tpu.assume_multiple %mul3A_213, 256 : i32
    "tpu.region"() ({
      %run_scoped3A = tpu.sem_alloc : memref<!tpu.dma_semaphore, #tpu.memory_space<semaphore_mem>>
      %dma_start3A_398 = tpu.memref_slice %arg3[%multiple_of3A_214] : memref<163840xi32, #tpu.memory_space<hbm>> -> memref<256xi32, #tpu.memory_space<hbm>>
      %dma_start3A_399 = tpu.memref_slice %arg3[%multiple_of3A_214] : memref<163840xi32, #tpu.memory_space<hbm>> -> memref<256xi32, #tpu.memory_space<hbm>>
      tpu.enqueue_dma source(%dma_start3A_399 : memref<256xi32, #tpu.memory_space<hbm>>) target(%arg6 : memref<256xi32, #tpu.memory_space<vmem>>) target_semaphore(%run_scoped3A : memref<!tpu.dma_semaphore, #tpu.memory_space<semaphore_mem>>)
      %dma_wait3A_400 = tpu.memref_slice %arg3[%multiple_of3A_214] : memref<163840xi32, #tpu.memory_space<hbm>> -> memref<256xi32, #tpu.memory_space<hbm>>
      %dma_wait3A_401 = tpu.memref_slice %arg3[%multiple_of3A_214] : memref<163840xi32, #tpu.memory_space<hbm>> -> memref<256xi32, #tpu.memory_space<hbm>>
      tpu.wait_dma2 semaphore(%run_scoped3A : memref<!tpu.dma_semaphore, #tpu.memory_space<semaphore_mem>>) src(%dma_wait3A_401 : memref<256xi32, #tpu.memory_space<hbm>>) dst(%arg6 : memref<256xi32, #tpu.memory_space<vmem>>)
      tpu.yield
    }) : () -> ()
    %dma_start3A_215 = arith.constant 0 : i32
    %dma_start3A_216 = arith.constant 0 : i32
    %dma_start3A_217 = tpu.memref_slice %arg2[%dma_start3A_215, %dma_start3A_216] : memref<8192x128xf32, #tpu.memory_space<hbm>> -> memref<8192x128xf32, #tpu.memory_space<hbm>>
    tpu.enqueue_indirect_dma source(%dma_start3A_217 : memref<8192x128xf32, #tpu.memory_space<hbm>>) target(%arg8 : memref<256x128xf32, #tpu.memory_space<vmem>>) offsets(%arg6 : memref<256xi32, #tpu.memory_space<vmem>>) semaphore(%arg10 : memref<!tpu.dma_semaphore, #tpu.memory_space<semaphore_mem>>)
    %dma_wait3A_218 = arith.constant 0 : i32
    %dma_wait3A_219 = arith.constant 0 : i32
    %dma_wait3A_220 = tpu.memref_slice %arg2[%dma_wait3A_218, %dma_wait3A_219] : memref<8192x128xf32, #tpu.memory_space<hbm>> -> memref<8192x128xf32, #tpu.memory_space<hbm>>
    tpu.wait_indirect_dma semaphore(%arg9 : memref<!tpu.dma_semaphore, #tpu.memory_space<semaphore_mem>>) src(%dma_wait3A_220 : memref<8192x128xf32, #tpu.memory_space<hbm>>) dst(%arg7 : memref<256x128xf32, #tpu.memory_space<vmem>>)
    %mul3A_221 = arith.constant 20 : i32
    %mul3A_222 = arith.muli %add3A, %mul3A_221 : i32
    %add3A_223 = arith.constant 10 : i32
    %add3A_224 = arith.addi %mul3A_222, %add3A_223 : i32
    %mul3A_225 = arith.constant 256 : i32
    %mul3A_226 = arith.muli %add3A_224, %mul3A_225 : i32
    %multiple_of3A_227 = tpu.assume_multiple %mul3A_226, 256 : i32
    "tpu.region"() ({
      %run_scoped3A = tpu.sem_alloc : memref<!tpu.dma_semaphore, #tpu.memory_space<semaphore_mem>>
      %dma_start3A_398 = arith.constant 0 : i32
      %dma_start3A_399 = tpu.memref_slice %arg4[%multiple_of3A_227, %dma_start3A_398] : memref<163840x128xf32, #tpu.memory_space<hbm>> -> memref<256x128xf32, #tpu.memory_space<hbm>>
      %dma_start3A_400 = arith.constant 0 : i32
      %dma_start3A_401 = tpu.memref_slice %arg4[%multiple_of3A_227, %dma_start3A_400] : memref<163840x128xf32, #tpu.memory_space<hbm>> -> memref<256x128xf32, #tpu.memory_space<hbm>>
      tpu.enqueue_dma source(%arg7 : memref<256x128xf32, #tpu.memory_space<vmem>>) target(%dma_start3A_401 : memref<256x128xf32, #tpu.memory_space<hbm>>) target_semaphore(%run_scoped3A : memref<!tpu.dma_semaphore, #tpu.memory_space<semaphore_mem>>)
      %dma_wait3A_402 = arith.constant 0 : i32
      %dma_wait3A_403 = tpu.memref_slice %arg4[%multiple_of3A_227, %dma_wait3A_402] : memref<163840x128xf32, #tpu.memory_space<hbm>> -> memref<256x128xf32, #tpu.memory_space<hbm>>
      %dma_wait3A_404 = arith.constant 0 : i32
      %dma_wait3A_405 = tpu.memref_slice %arg4[%multiple_of3A_227, %dma_wait3A_404] : memref<163840x128xf32, #tpu.memory_space<hbm>> -> memref<256x128xf32, #tpu.memory_space<hbm>>
      tpu.wait_dma2 semaphore(%run_scoped3A : memref<!tpu.dma_semaphore, #tpu.memory_space<semaphore_mem>>) src(%arg7 : memref<256x128xf32, #tpu.memory_space<vmem>>) dst(%dma_wait3A_405 : memref<256x128xf32, #tpu.memory_space<hbm>>)
      tpu.yield
    }) : () -> ()
    %mul3A_228 = arith.constant 20 : i32
    %mul3A_229 = arith.muli %add3A, %mul3A_228 : i32
    %add3A_230 = arith.constant 12 : i32
    %add3A_231 = arith.addi %mul3A_229, %add3A_230 : i32
    %mul3A_232 = arith.constant 256 : i32
    %mul3A_233 = arith.muli %add3A_231, %mul3A_232 : i32
    %multiple_of3A_234 = tpu.assume_multiple %mul3A_233, 256 : i32
    "tpu.region"() ({
      %run_scoped3A = tpu.sem_alloc : memref<!tpu.dma_semaphore, #tpu.memory_space<semaphore_mem>>
      %dma_start3A_398 = tpu.memref_slice %arg3[%multiple_of3A_234] : memref<163840xi32, #tpu.memory_space<hbm>> -> memref<256xi32, #tpu.memory_space<hbm>>
      %dma_start3A_399 = tpu.memref_slice %arg3[%multiple_of3A_234] : memref<163840xi32, #tpu.memory_space<hbm>> -> memref<256xi32, #tpu.memory_space<hbm>>
      tpu.enqueue_dma source(%dma_start3A_399 : memref<256xi32, #tpu.memory_space<hbm>>) target(%arg5 : memref<256xi32, #tpu.memory_space<vmem>>) target_semaphore(%run_scoped3A : memref<!tpu.dma_semaphore, #tpu.memory_space<semaphore_mem>>)
      %dma_wait3A_400 = tpu.memref_slice %arg3[%multiple_of3A_234] : memref<163840xi32, #tpu.memory_space<hbm>> -> memref<256xi32, #tpu.memory_space<hbm>>
      %dma_wait3A_401 = tpu.memref_slice %arg3[%multiple_of3A_234] : memref<163840xi32, #tpu.memory_space<hbm>> -> memref<256xi32, #tpu.memory_space<hbm>>
      tpu.wait_dma2 semaphore(%run_scoped3A : memref<!tpu.dma_semaphore, #tpu.memory_space<semaphore_mem>>) src(%dma_wait3A_401 : memref<256xi32, #tpu.memory_space<hbm>>) dst(%arg5 : memref<256xi32, #tpu.memory_space<vmem>>)
      tpu.yield
    }) : () -> ()
    %dma_start3A_235 = arith.constant 0 : i32
    %dma_start3A_236 = arith.constant 0 : i32
    %dma_start3A_237 = tpu.memref_slice %arg2[%dma_start3A_235, %dma_start3A_236] : memref<8192x128xf32, #tpu.memory_space<hbm>> -> memref<8192x128xf32, #tpu.memory_space<hbm>>
    tpu.enqueue_indirect_dma source(%dma_start3A_237 : memref<8192x128xf32, #tpu.memory_space<hbm>>) target(%arg7 : memref<256x128xf32, #tpu.memory_space<vmem>>) offsets(%arg5 : memref<256xi32, #tpu.memory_space<vmem>>) semaphore(%arg9 : memref<!tpu.dma_semaphore, #tpu.memory_space<semaphore_mem>>)
    %dma_wait3A_238 = arith.constant 0 : i32
    %dma_wait3A_239 = arith.constant 0 : i32
    %dma_wait3A_240 = tpu.memref_slice %arg2[%dma_wait3A_238, %dma_wait3A_239] : memref<8192x128xf32, #tpu.memory_space<hbm>> -> memref<8192x128xf32, #tpu.memory_space<hbm>>
    tpu.wait_indirect_dma semaphore(%arg10 : memref<!tpu.dma_semaphore, #tpu.memory_space<semaphore_mem>>) src(%dma_wait3A_240 : memref<8192x128xf32, #tpu.memory_space<hbm>>) dst(%arg8 : memref<256x128xf32, #tpu.memory_space<vmem>>)
    %mul3A_241 = arith.constant 20 : i32
    %mul3A_242 = arith.muli %add3A, %mul3A_241 : i32
    %add3A_243 = arith.constant 11 : i32
    %add3A_244 = arith.addi %mul3A_242, %add3A_243 : i32
    %mul3A_245 = arith.constant 256 : i32
    %mul3A_246 = arith.muli %add3A_244, %mul3A_245 : i32
    %multiple_of3A_247 = tpu.assume_multiple %mul3A_246, 256 : i32
    "tpu.region"() ({
      %run_scoped3A = tpu.sem_alloc : memref<!tpu.dma_semaphore, #tpu.memory_space<semaphore_mem>>
      %dma_start3A_398 = arith.constant 0 : i32
      %dma_start3A_399 = tpu.memref_slice %arg4[%multiple_of3A_247, %dma_start3A_398] : memref<163840x128xf32, #tpu.memory_space<hbm>> -> memref<256x128xf32, #tpu.memory_space<hbm>>
      %dma_start3A_400 = arith.constant 0 : i32
      %dma_start3A_401 = tpu.memref_slice %arg4[%multiple_of3A_247, %dma_start3A_400] : memref<163840x128xf32, #tpu.memory_space<hbm>> -> memref<256x128xf32, #tpu.memory_space<hbm>>
      tpu.enqueue_dma source(%arg8 : memref<256x128xf32, #tpu.memory_space<vmem>>) target(%dma_start3A_401 : memref<256x128xf32, #tpu.memory_space<hbm>>) target_semaphore(%run_scoped3A : memref<!tpu.dma_semaphore, #tpu.memory_space<semaphore_mem>>)
      %dma_wait3A_402 = arith.constant 0 : i32
      %dma_wait3A_403 = tpu.memref_slice %arg4[%multiple_of3A_247, %dma_wait3A_402] : memref<163840x128xf32, #tpu.memory_space<hbm>> -> memref<256x128xf32, #tpu.memory_space<hbm>>
      %dma_wait3A_404 = arith.constant 0 : i32
      %dma_wait3A_405 = tpu.memref_slice %arg4[%multiple_of3A_247, %dma_wait3A_404] : memref<163840x128xf32, #tpu.memory_space<hbm>> -> memref<256x128xf32, #tpu.memory_space<hbm>>
      tpu.wait_dma2 semaphore(%run_scoped3A : memref<!tpu.dma_semaphore, #tpu.memory_space<semaphore_mem>>) src(%arg8 : memref<256x128xf32, #tpu.memory_space<vmem>>) dst(%dma_wait3A_405 : memref<256x128xf32, #tpu.memory_space<hbm>>)
      tpu.yield
    }) : () -> ()
    %mul3A_248 = arith.constant 20 : i32
    %mul3A_249 = arith.muli %add3A, %mul3A_248 : i32
    %add3A_250 = arith.constant 13 : i32
    %add3A_251 = arith.addi %mul3A_249, %add3A_250 : i32
    %mul3A_252 = arith.constant 256 : i32
    %mul3A_253 = arith.muli %add3A_251, %mul3A_252 : i32
    %multiple_of3A_254 = tpu.assume_multiple %mul3A_253, 256 : i32
    "tpu.region"() ({
      %run_scoped3A = tpu.sem_alloc : memref<!tpu.dma_semaphore, #tpu.memory_space<semaphore_mem>>
      %dma_start3A_398 = tpu.memref_slice %arg3[%multiple_of3A_254] : memref<163840xi32, #tpu.memory_space<hbm>> -> memref<256xi32, #tpu.memory_space<hbm>>
      %dma_start3A_399 = tpu.memref_slice %arg3[%multiple_of3A_254] : memref<163840xi32, #tpu.memory_space<hbm>> -> memref<256xi32, #tpu.memory_space<hbm>>
      tpu.enqueue_dma source(%dma_start3A_399 : memref<256xi32, #tpu.memory_space<hbm>>) target(%arg6 : memref<256xi32, #tpu.memory_space<vmem>>) target_semaphore(%run_scoped3A : memref<!tpu.dma_semaphore, #tpu.memory_space<semaphore_mem>>)
      %dma_wait3A_400 = tpu.memref_slice %arg3[%multiple_of3A_254] : memref<163840xi32, #tpu.memory_space<hbm>> -> memref<256xi32, #tpu.memory_space<hbm>>
      %dma_wait3A_401 = tpu.memref_slice %arg3[%multiple_of3A_254] : memref<163840xi32, #tpu.memory_space<hbm>> -> memref<256xi32, #tpu.memory_space<hbm>>
      tpu.wait_dma2 semaphore(%run_scoped3A : memref<!tpu.dma_semaphore, #tpu.memory_space<semaphore_mem>>) src(%dma_wait3A_401 : memref<256xi32, #tpu.memory_space<hbm>>) dst(%arg6 : memref<256xi32, #tpu.memory_space<vmem>>)
      tpu.yield
    }) : () -> ()
    %dma_start3A_255 = arith.constant 0 : i32
    %dma_start3A_256 = arith.constant 0 : i32
    %dma_start3A_257 = tpu.memref_slice %arg2[%dma_start3A_255, %dma_start3A_256] : memref<8192x128xf32, #tpu.memory_space<hbm>> -> memref<8192x128xf32, #tpu.memory_space<hbm>>
    tpu.enqueue_indirect_dma source(%dma_start3A_257 : memref<8192x128xf32, #tpu.memory_space<hbm>>) target(%arg8 : memref<256x128xf32, #tpu.memory_space<vmem>>) offsets(%arg6 : memref<256xi32, #tpu.memory_space<vmem>>) semaphore(%arg10 : memref<!tpu.dma_semaphore, #tpu.memory_space<semaphore_mem>>)
    %dma_wait3A_258 = arith.constant 0 : i32
    %dma_wait3A_259 = arith.constant 0 : i32
    %dma_wait3A_260 = tpu.memref_slice %arg2[%dma_wait3A_258, %dma_wait3A_259] : memref<8192x128xf32, #tpu.memory_space<hbm>> -> memref<8192x128xf32, #tpu.memory_space<hbm>>
    tpu.wait_indirect_dma semaphore(%arg9 : memref<!tpu.dma_semaphore, #tpu.memory_space<semaphore_mem>>) src(%dma_wait3A_260 : memref<8192x128xf32, #tpu.memory_space<hbm>>) dst(%arg7 : memref<256x128xf32, #tpu.memory_space<vmem>>)
    %mul3A_261 = arith.constant 20 : i32
    %mul3A_262 = arith.muli %add3A, %mul3A_261 : i32
    %add3A_263 = arith.constant 12 : i32
    %add3A_264 = arith.addi %mul3A_262, %add3A_263 : i32
    %mul3A_265 = arith.constant 256 : i32
    %mul3A_266 = arith.muli %add3A_264, %mul3A_265 : i32
    %multiple_of3A_267 = tpu.assume_multiple %mul3A_266, 256 : i32
    "tpu.region"() ({
      %run_scoped3A = tpu.sem_alloc : memref<!tpu.dma_semaphore, #tpu.memory_space<semaphore_mem>>
      %dma_start3A_398 = arith.constant 0 : i32
      %dma_start3A_399 = tpu.memref_slice %arg4[%multiple_of3A_267, %dma_start3A_398] : memref<163840x128xf32, #tpu.memory_space<hbm>> -> memref<256x128xf32, #tpu.memory_space<hbm>>
      %dma_start3A_400 = arith.constant 0 : i32
      %dma_start3A_401 = tpu.memref_slice %arg4[%multiple_of3A_267, %dma_start3A_400] : memref<163840x128xf32, #tpu.memory_space<hbm>> -> memref<256x128xf32, #tpu.memory_space<hbm>>
      tpu.enqueue_dma source(%arg7 : memref<256x128xf32, #tpu.memory_space<vmem>>) target(%dma_start3A_401 : memref<256x128xf32, #tpu.memory_space<hbm>>) target_semaphore(%run_scoped3A : memref<!tpu.dma_semaphore, #tpu.memory_space<semaphore_mem>>)
      %dma_wait3A_402 = arith.constant 0 : i32
      %dma_wait3A_403 = tpu.memref_slice %arg4[%multiple_of3A_267, %dma_wait3A_402] : memref<163840x128xf32, #tpu.memory_space<hbm>> -> memref<256x128xf32, #tpu.memory_space<hbm>>
      %dma_wait3A_404 = arith.constant 0 : i32
      %dma_wait3A_405 = tpu.memref_slice %arg4[%multiple_of3A_267, %dma_wait3A_404] : memref<163840x128xf32, #tpu.memory_space<hbm>> -> memref<256x128xf32, #tpu.memory_space<hbm>>
      tpu.wait_dma2 semaphore(%run_scoped3A : memref<!tpu.dma_semaphore, #tpu.memory_space<semaphore_mem>>) src(%arg7 : memref<256x128xf32, #tpu.memory_space<vmem>>) dst(%dma_wait3A_405 : memref<256x128xf32, #tpu.memory_space<hbm>>)
      tpu.yield
    }) : () -> ()
    %mul3A_268 = arith.constant 20 : i32
    %mul3A_269 = arith.muli %add3A, %mul3A_268 : i32
    %add3A_270 = arith.constant 14 : i32
    %add3A_271 = arith.addi %mul3A_269, %add3A_270 : i32
    %mul3A_272 = arith.constant 256 : i32
    %mul3A_273 = arith.muli %add3A_271, %mul3A_272 : i32
    %multiple_of3A_274 = tpu.assume_multiple %mul3A_273, 256 : i32
    "tpu.region"() ({
      %run_scoped3A = tpu.sem_alloc : memref<!tpu.dma_semaphore, #tpu.memory_space<semaphore_mem>>
      %dma_start3A_398 = tpu.memref_slice %arg3[%multiple_of3A_274] : memref<163840xi32, #tpu.memory_space<hbm>> -> memref<256xi32, #tpu.memory_space<hbm>>
      %dma_start3A_399 = tpu.memref_slice %arg3[%multiple_of3A_274] : memref<163840xi32, #tpu.memory_space<hbm>> -> memref<256xi32, #tpu.memory_space<hbm>>
      tpu.enqueue_dma source(%dma_start3A_399 : memref<256xi32, #tpu.memory_space<hbm>>) target(%arg5 : memref<256xi32, #tpu.memory_space<vmem>>) target_semaphore(%run_scoped3A : memref<!tpu.dma_semaphore, #tpu.memory_space<semaphore_mem>>)
      %dma_wait3A_400 = tpu.memref_slice %arg3[%multiple_of3A_274] : memref<163840xi32, #tpu.memory_space<hbm>> -> memref<256xi32, #tpu.memory_space<hbm>>
      %dma_wait3A_401 = tpu.memref_slice %arg3[%multiple_of3A_274] : memref<163840xi32, #tpu.memory_space<hbm>> -> memref<256xi32, #tpu.memory_space<hbm>>
      tpu.wait_dma2 semaphore(%run_scoped3A : memref<!tpu.dma_semaphore, #tpu.memory_space<semaphore_mem>>) src(%dma_wait3A_401 : memref<256xi32, #tpu.memory_space<hbm>>) dst(%arg5 : memref<256xi32, #tpu.memory_space<vmem>>)
      tpu.yield
    }) : () -> ()
    %dma_start3A_275 = arith.constant 0 : i32
    %dma_start3A_276 = arith.constant 0 : i32
    %dma_start3A_277 = tpu.memref_slice %arg2[%dma_start3A_275, %dma_start3A_276] : memref<8192x128xf32, #tpu.memory_space<hbm>> -> memref<8192x128xf32, #tpu.memory_space<hbm>>
    tpu.enqueue_indirect_dma source(%dma_start3A_277 : memref<8192x128xf32, #tpu.memory_space<hbm>>) target(%arg7 : memref<256x128xf32, #tpu.memory_space<vmem>>) offsets(%arg5 : memref<256xi32, #tpu.memory_space<vmem>>) semaphore(%arg9 : memref<!tpu.dma_semaphore, #tpu.memory_space<semaphore_mem>>)
    %dma_wait3A_278 = arith.constant 0 : i32
    %dma_wait3A_279 = arith.constant 0 : i32
    %dma_wait3A_280 = tpu.memref_slice %arg2[%dma_wait3A_278, %dma_wait3A_279] : memref<8192x128xf32, #tpu.memory_space<hbm>> -> memref<8192x128xf32, #tpu.memory_space<hbm>>
    tpu.wait_indirect_dma semaphore(%arg10 : memref<!tpu.dma_semaphore, #tpu.memory_space<semaphore_mem>>) src(%dma_wait3A_280 : memref<8192x128xf32, #tpu.memory_space<hbm>>) dst(%arg8 : memref<256x128xf32, #tpu.memory_space<vmem>>)
    %mul3A_281 = arith.constant 20 : i32
    %mul3A_282 = arith.muli %add3A, %mul3A_281 : i32
    %add3A_283 = arith.constant 13 : i32
    %add3A_284 = arith.addi %mul3A_282, %add3A_283 : i32
    %mul3A_285 = arith.constant 256 : i32
    %mul3A_286 = arith.muli %add3A_284, %mul3A_285 : i32
    %multiple_of3A_287 = tpu.assume_multiple %mul3A_286, 256 : i32
    "tpu.region"() ({
      %run_scoped3A = tpu.sem_alloc : memref<!tpu.dma_semaphore, #tpu.memory_space<semaphore_mem>>
      %dma_start3A_398 = arith.constant 0 : i32
      %dma_start3A_399 = tpu.memref_slice %arg4[%multiple_of3A_287, %dma_start3A_398] : memref<163840x128xf32, #tpu.memory_space<hbm>> -> memref<256x128xf32, #tpu.memory_space<hbm>>
      %dma_start3A_400 = arith.constant 0 : i32
      %dma_start3A_401 = tpu.memref_slice %arg4[%multiple_of3A_287, %dma_start3A_400] : memref<163840x128xf32, #tpu.memory_space<hbm>> -> memref<256x128xf32, #tpu.memory_space<hbm>>
      tpu.enqueue_dma source(%arg8 : memref<256x128xf32, #tpu.memory_space<vmem>>) target(%dma_start3A_401 : memref<256x128xf32, #tpu.memory_space<hbm>>) target_semaphore(%run_scoped3A : memref<!tpu.dma_semaphore, #tpu.memory_space<semaphore_mem>>)
      %dma_wait3A_402 = arith.constant 0 : i32
      %dma_wait3A_403 = tpu.memref_slice %arg4[%multiple_of3A_287, %dma_wait3A_402] : memref<163840x128xf32, #tpu.memory_space<hbm>> -> memref<256x128xf32, #tpu.memory_space<hbm>>
      %dma_wait3A_404 = arith.constant 0 : i32
      %dma_wait3A_405 = tpu.memref_slice %arg4[%multiple_of3A_287, %dma_wait3A_404] : memref<163840x128xf32, #tpu.memory_space<hbm>> -> memref<256x128xf32, #tpu.memory_space<hbm>>
      tpu.wait_dma2 semaphore(%run_scoped3A : memref<!tpu.dma_semaphore, #tpu.memory_space<semaphore_mem>>) src(%arg8 : memref<256x128xf32, #tpu.memory_space<vmem>>) dst(%dma_wait3A_405 : memref<256x128xf32, #tpu.memory_space<hbm>>)
      tpu.yield
    }) : () -> ()
    %mul3A_288 = arith.constant 20 : i32
    %mul3A_289 = arith.muli %add3A, %mul3A_288 : i32
    %add3A_290 = arith.constant 15 : i32
    %add3A_291 = arith.addi %mul3A_289, %add3A_290 : i32
    %mul3A_292 = arith.constant 256 : i32
    %mul3A_293 = arith.muli %add3A_291, %mul3A_292 : i32
    %multiple_of3A_294 = tpu.assume_multiple %mul3A_293, 256 : i32
    "tpu.region"() ({
      %run_scoped3A = tpu.sem_alloc : memref<!tpu.dma_semaphore, #tpu.memory_space<semaphore_mem>>
      %dma_start3A_398 = tpu.memref_slice %arg3[%multiple_of3A_294] : memref<163840xi32, #tpu.memory_space<hbm>> -> memref<256xi32, #tpu.memory_space<hbm>>
      %dma_start3A_399 = tpu.memref_slice %arg3[%multiple_of3A_294] : memref<163840xi32, #tpu.memory_space<hbm>> -> memref<256xi32, #tpu.memory_space<hbm>>
      tpu.enqueue_dma source(%dma_start3A_399 : memref<256xi32, #tpu.memory_space<hbm>>) target(%arg6 : memref<256xi32, #tpu.memory_space<vmem>>) target_semaphore(%run_scoped3A : memref<!tpu.dma_semaphore, #tpu.memory_space<semaphore_mem>>)
      %dma_wait3A_400 = tpu.memref_slice %arg3[%multiple_of3A_294] : memref<163840xi32, #tpu.memory_space<hbm>> -> memref<256xi32, #tpu.memory_space<hbm>>
      %dma_wait3A_401 = tpu.memref_slice %arg3[%multiple_of3A_294] : memref<163840xi32, #tpu.memory_space<hbm>> -> memref<256xi32, #tpu.memory_space<hbm>>
      tpu.wait_dma2 semaphore(%run_scoped3A : memref<!tpu.dma_semaphore, #tpu.memory_space<semaphore_mem>>) src(%dma_wait3A_401 : memref<256xi32, #tpu.memory_space<hbm>>) dst(%arg6 : memref<256xi32, #tpu.memory_space<vmem>>)
      tpu.yield
    }) : () -> ()
    %dma_start3A_295 = arith.constant 0 : i32
    %dma_start3A_296 = arith.constant 0 : i32
    %dma_start3A_297 = tpu.memref_slice %arg2[%dma_start3A_295, %dma_start3A_296] : memref<8192x128xf32, #tpu.memory_space<hbm>> -> memref<8192x128xf32, #tpu.memory_space<hbm>>
    tpu.enqueue_indirect_dma source(%dma_start3A_297 : memref<8192x128xf32, #tpu.memory_space<hbm>>) target(%arg8 : memref<256x128xf32, #tpu.memory_space<vmem>>) offsets(%arg6 : memref<256xi32, #tpu.memory_space<vmem>>) semaphore(%arg10 : memref<!tpu.dma_semaphore, #tpu.memory_space<semaphore_mem>>)
    %dma_wait3A_298 = arith.constant 0 : i32
    %dma_wait3A_299 = arith.constant 0 : i32
    %dma_wait3A_300 = tpu.memref_slice %arg2[%dma_wait3A_298, %dma_wait3A_299] : memref<8192x128xf32, #tpu.memory_space<hbm>> -> memref<8192x128xf32, #tpu.memory_space<hbm>>
    tpu.wait_indirect_dma semaphore(%arg9 : memref<!tpu.dma_semaphore, #tpu.memory_space<semaphore_mem>>) src(%dma_wait3A_300 : memref<8192x128xf32, #tpu.memory_space<hbm>>) dst(%arg7 : memref<256x128xf32, #tpu.memory_space<vmem>>)
    %mul3A_301 = arith.constant 20 : i32
    %mul3A_302 = arith.muli %add3A, %mul3A_301 : i32
    %add3A_303 = arith.constant 14 : i32
    %add3A_304 = arith.addi %mul3A_302, %add3A_303 : i32
    %mul3A_305 = arith.constant 256 : i32
    %mul3A_306 = arith.muli %add3A_304, %mul3A_305 : i32
    %multiple_of3A_307 = tpu.assume_multiple %mul3A_306, 256 : i32
    "tpu.region"() ({
      %run_scoped3A = tpu.sem_alloc : memref<!tpu.dma_semaphore, #tpu.memory_space<semaphore_mem>>
      %dma_start3A_398 = arith.constant 0 : i32
      %dma_start3A_399 = tpu.memref_slice %arg4[%multiple_of3A_307, %dma_start3A_398] : memref<163840x128xf32, #tpu.memory_space<hbm>> -> memref<256x128xf32, #tpu.memory_space<hbm>>
      %dma_start3A_400 = arith.constant 0 : i32
      %dma_start3A_401 = tpu.memref_slice %arg4[%multiple_of3A_307, %dma_start3A_400] : memref<163840x128xf32, #tpu.memory_space<hbm>> -> memref<256x128xf32, #tpu.memory_space<hbm>>
      tpu.enqueue_dma source(%arg7 : memref<256x128xf32, #tpu.memory_space<vmem>>) target(%dma_start3A_401 : memref<256x128xf32, #tpu.memory_space<hbm>>) target_semaphore(%run_scoped3A : memref<!tpu.dma_semaphore, #tpu.memory_space<semaphore_mem>>)
      %dma_wait3A_402 = arith.constant 0 : i32
      %dma_wait3A_403 = tpu.memref_slice %arg4[%multiple_of3A_307, %dma_wait3A_402] : memref<163840x128xf32, #tpu.memory_space<hbm>> -> memref<256x128xf32, #tpu.memory_space<hbm>>
      %dma_wait3A_404 = arith.constant 0 : i32
      %dma_wait3A_405 = tpu.memref_slice %arg4[%multiple_of3A_307, %dma_wait3A_404] : memref<163840x128xf32, #tpu.memory_space<hbm>> -> memref<256x128xf32, #tpu.memory_space<hbm>>
      tpu.wait_dma2 semaphore(%run_scoped3A : memref<!tpu.dma_semaphore, #tpu.memory_space<semaphore_mem>>) src(%arg7 : memref<256x128xf32, #tpu.memory_space<vmem>>) dst(%dma_wait3A_405 : memref<256x128xf32, #tpu.memory_space<hbm>>)
      tpu.yield
    }) : () -> ()
    %mul3A_308 = arith.constant 20 : i32
    %mul3A_309 = arith.muli %add3A, %mul3A_308 : i32
    %add3A_310 = arith.constant 16 : i32
    %add3A_311 = arith.addi %mul3A_309, %add3A_310 : i32
    %mul3A_312 = arith.constant 256 : i32
    %mul3A_313 = arith.muli %add3A_311, %mul3A_312 : i32
    %multiple_of3A_314 = tpu.assume_multiple %mul3A_313, 256 : i32
    "tpu.region"() ({
      %run_scoped3A = tpu.sem_alloc : memref<!tpu.dma_semaphore, #tpu.memory_space<semaphore_mem>>
      %dma_start3A_398 = tpu.memref_slice %arg3[%multiple_of3A_314] : memref<163840xi32, #tpu.memory_space<hbm>> -> memref<256xi32, #tpu.memory_space<hbm>>
      %dma_start3A_399 = tpu.memref_slice %arg3[%multiple_of3A_314] : memref<163840xi32, #tpu.memory_space<hbm>> -> memref<256xi32, #tpu.memory_space<hbm>>
      tpu.enqueue_dma source(%dma_start3A_399 : memref<256xi32, #tpu.memory_space<hbm>>) target(%arg5 : memref<256xi32, #tpu.memory_space<vmem>>) target_semaphore(%run_scoped3A : memref<!tpu.dma_semaphore, #tpu.memory_space<semaphore_mem>>)
      %dma_wait3A_400 = tpu.memref_slice %arg3[%multiple_of3A_314] : memref<163840xi32, #tpu.memory_space<hbm>> -> memref<256xi32, #tpu.memory_space<hbm>>
      %dma_wait3A_401 = tpu.memref_slice %arg3[%multiple_of3A_314] : memref<163840xi32, #tpu.memory_space<hbm>> -> memref<256xi32, #tpu.memory_space<hbm>>
      tpu.wait_dma2 semaphore(%run_scoped3A : memref<!tpu.dma_semaphore, #tpu.memory_space<semaphore_mem>>) src(%dma_wait3A_401 : memref<256xi32, #tpu.memory_space<hbm>>) dst(%arg5 : memref<256xi32, #tpu.memory_space<vmem>>)
      tpu.yield
    }) : () -> ()
    %dma_start3A_315 = arith.constant 0 : i32
    %dma_start3A_316 = arith.constant 0 : i32
    %dma_start3A_317 = tpu.memref_slice %arg2[%dma_start3A_315, %dma_start3A_316] : memref<8192x128xf32, #tpu.memory_space<hbm>> -> memref<8192x128xf32, #tpu.memory_space<hbm>>
    tpu.enqueue_indirect_dma source(%dma_start3A_317 : memref<8192x128xf32, #tpu.memory_space<hbm>>) target(%arg7 : memref<256x128xf32, #tpu.memory_space<vmem>>) offsets(%arg5 : memref<256xi32, #tpu.memory_space<vmem>>) semaphore(%arg9 : memref<!tpu.dma_semaphore, #tpu.memory_space<semaphore_mem>>)
    %dma_wait3A_318 = arith.constant 0 : i32
    %dma_wait3A_319 = arith.constant 0 : i32
    %dma_wait3A_320 = tpu.memref_slice %arg2[%dma_wait3A_318, %dma_wait3A_319] : memref<8192x128xf32, #tpu.memory_space<hbm>> -> memref<8192x128xf32, #tpu.memory_space<hbm>>
    tpu.wait_indirect_dma semaphore(%arg10 : memref<!tpu.dma_semaphore, #tpu.memory_space<semaphore_mem>>) src(%dma_wait3A_320 : memref<8192x128xf32, #tpu.memory_space<hbm>>) dst(%arg8 : memref<256x128xf32, #tpu.memory_space<vmem>>)
    %mul3A_321 = arith.constant 20 : i32
    %mul3A_322 = arith.muli %add3A, %mul3A_321 : i32
    %add3A_323 = arith.constant 15 : i32
    %add3A_324 = arith.addi %mul3A_322, %add3A_323 : i32
    %mul3A_325 = arith.constant 256 : i32
    %mul3A_326 = arith.muli %add3A_324, %mul3A_325 : i32
    %multiple_of3A_327 = tpu.assume_multiple %mul3A_326, 256 : i32
    "tpu.region"() ({
      %run_scoped3A = tpu.sem_alloc : memref<!tpu.dma_semaphore, #tpu.memory_space<semaphore_mem>>
      %dma_start3A_398 = arith.constant 0 : i32
      %dma_start3A_399 = tpu.memref_slice %arg4[%multiple_of3A_327, %dma_start3A_398] : memref<163840x128xf32, #tpu.memory_space<hbm>> -> memref<256x128xf32, #tpu.memory_space<hbm>>
      %dma_start3A_400 = arith.constant 0 : i32
      %dma_start3A_401 = tpu.memref_slice %arg4[%multiple_of3A_327, %dma_start3A_400] : memref<163840x128xf32, #tpu.memory_space<hbm>> -> memref<256x128xf32, #tpu.memory_space<hbm>>
      tpu.enqueue_dma source(%arg8 : memref<256x128xf32, #tpu.memory_space<vmem>>) target(%dma_start3A_401 : memref<256x128xf32, #tpu.memory_space<hbm>>) target_semaphore(%run_scoped3A : memref<!tpu.dma_semaphore, #tpu.memory_space<semaphore_mem>>)
      %dma_wait3A_402 = arith.constant 0 : i32
      %dma_wait3A_403 = tpu.memref_slice %arg4[%multiple_of3A_327, %dma_wait3A_402] : memref<163840x128xf32, #tpu.memory_space<hbm>> -> memref<256x128xf32, #tpu.memory_space<hbm>>
      %dma_wait3A_404 = arith.constant 0 : i32
      %dma_wait3A_405 = tpu.memref_slice %arg4[%multiple_of3A_327, %dma_wait3A_404] : memref<163840x128xf32, #tpu.memory_space<hbm>> -> memref<256x128xf32, #tpu.memory_space<hbm>>
      tpu.wait_dma2 semaphore(%run_scoped3A : memref<!tpu.dma_semaphore, #tpu.memory_space<semaphore_mem>>) src(%arg8 : memref<256x128xf32, #tpu.memory_space<vmem>>) dst(%dma_wait3A_405 : memref<256x128xf32, #tpu.memory_space<hbm>>)
      tpu.yield
    }) : () -> ()
    %mul3A_328 = arith.constant 20 : i32
    %mul3A_329 = arith.muli %add3A, %mul3A_328 : i32
    %add3A_330 = arith.constant 17 : i32
    %add3A_331 = arith.addi %mul3A_329, %add3A_330 : i32
    %mul3A_332 = arith.constant 256 : i32
    %mul3A_333 = arith.muli %add3A_331, %mul3A_332 : i32
    %multiple_of3A_334 = tpu.assume_multiple %mul3A_333, 256 : i32
    "tpu.region"() ({
      %run_scoped3A = tpu.sem_alloc : memref<!tpu.dma_semaphore, #tpu.memory_space<semaphore_mem>>
      %dma_start3A_398 = tpu.memref_slice %arg3[%multiple_of3A_334] : memref<163840xi32, #tpu.memory_space<hbm>> -> memref<256xi32, #tpu.memory_space<hbm>>
      %dma_start3A_399 = tpu.memref_slice %arg3[%multiple_of3A_334] : memref<163840xi32, #tpu.memory_space<hbm>> -> memref<256xi32, #tpu.memory_space<hbm>>
      tpu.enqueue_dma source(%dma_start3A_399 : memref<256xi32, #tpu.memory_space<hbm>>) target(%arg6 : memref<256xi32, #tpu.memory_space<vmem>>) target_semaphore(%run_scoped3A : memref<!tpu.dma_semaphore, #tpu.memory_space<semaphore_mem>>)
      %dma_wait3A_400 = tpu.memref_slice %arg3[%multiple_of3A_334] : memref<163840xi32, #tpu.memory_space<hbm>> -> memref<256xi32, #tpu.memory_space<hbm>>
      %dma_wait3A_401 = tpu.memref_slice %arg3[%multiple_of3A_334] : memref<163840xi32, #tpu.memory_space<hbm>> -> memref<256xi32, #tpu.memory_space<hbm>>
      tpu.wait_dma2 semaphore(%run_scoped3A : memref<!tpu.dma_semaphore, #tpu.memory_space<semaphore_mem>>) src(%dma_wait3A_401 : memref<256xi32, #tpu.memory_space<hbm>>) dst(%arg6 : memref<256xi32, #tpu.memory_space<vmem>>)
      tpu.yield
    }) : () -> ()
    %dma_start3A_335 = arith.constant 0 : i32
    %dma_start3A_336 = arith.constant 0 : i32
    %dma_start3A_337 = tpu.memref_slice %arg2[%dma_start3A_335, %dma_start3A_336] : memref<8192x128xf32, #tpu.memory_space<hbm>> -> memref<8192x128xf32, #tpu.memory_space<hbm>>
    tpu.enqueue_indirect_dma source(%dma_start3A_337 : memref<8192x128xf32, #tpu.memory_space<hbm>>) target(%arg8 : memref<256x128xf32, #tpu.memory_space<vmem>>) offsets(%arg6 : memref<256xi32, #tpu.memory_space<vmem>>) semaphore(%arg10 : memref<!tpu.dma_semaphore, #tpu.memory_space<semaphore_mem>>)
    %dma_wait3A_338 = arith.constant 0 : i32
    %dma_wait3A_339 = arith.constant 0 : i32
    %dma_wait3A_340 = tpu.memref_slice %arg2[%dma_wait3A_338, %dma_wait3A_339] : memref<8192x128xf32, #tpu.memory_space<hbm>> -> memref<8192x128xf32, #tpu.memory_space<hbm>>
    tpu.wait_indirect_dma semaphore(%arg9 : memref<!tpu.dma_semaphore, #tpu.memory_space<semaphore_mem>>) src(%dma_wait3A_340 : memref<8192x128xf32, #tpu.memory_space<hbm>>) dst(%arg7 : memref<256x128xf32, #tpu.memory_space<vmem>>)
    %mul3A_341 = arith.constant 20 : i32
    %mul3A_342 = arith.muli %add3A, %mul3A_341 : i32
    %add3A_343 = arith.constant 16 : i32
    %add3A_344 = arith.addi %mul3A_342, %add3A_343 : i32
    %mul3A_345 = arith.constant 256 : i32
    %mul3A_346 = arith.muli %add3A_344, %mul3A_345 : i32
    %multiple_of3A_347 = tpu.assume_multiple %mul3A_346, 256 : i32
    "tpu.region"() ({
      %run_scoped3A = tpu.sem_alloc : memref<!tpu.dma_semaphore, #tpu.memory_space<semaphore_mem>>
      %dma_start3A_398 = arith.constant 0 : i32
      %dma_start3A_399 = tpu.memref_slice %arg4[%multiple_of3A_347, %dma_start3A_398] : memref<163840x128xf32, #tpu.memory_space<hbm>> -> memref<256x128xf32, #tpu.memory_space<hbm>>
      %dma_start3A_400 = arith.constant 0 : i32
      %dma_start3A_401 = tpu.memref_slice %arg4[%multiple_of3A_347, %dma_start3A_400] : memref<163840x128xf32, #tpu.memory_space<hbm>> -> memref<256x128xf32, #tpu.memory_space<hbm>>
      tpu.enqueue_dma source(%arg7 : memref<256x128xf32, #tpu.memory_space<vmem>>) target(%dma_start3A_401 : memref<256x128xf32, #tpu.memory_space<hbm>>) target_semaphore(%run_scoped3A : memref<!tpu.dma_semaphore, #tpu.memory_space<semaphore_mem>>)
      %dma_wait3A_402 = arith.constant 0 : i32
      %dma_wait3A_403 = tpu.memref_slice %arg4[%multiple_of3A_347, %dma_wait3A_402] : memref<163840x128xf32, #tpu.memory_space<hbm>> -> memref<256x128xf32, #tpu.memory_space<hbm>>
      %dma_wait3A_404 = arith.constant 0 : i32
      %dma_wait3A_405 = tpu.memref_slice %arg4[%multiple_of3A_347, %dma_wait3A_404] : memref<163840x128xf32, #tpu.memory_space<hbm>> -> memref<256x128xf32, #tpu.memory_space<hbm>>
      tpu.wait_dma2 semaphore(%run_scoped3A : memref<!tpu.dma_semaphore, #tpu.memory_space<semaphore_mem>>) src(%arg7 : memref<256x128xf32, #tpu.memory_space<vmem>>) dst(%dma_wait3A_405 : memref<256x128xf32, #tpu.memory_space<hbm>>)
      tpu.yield
    }) : () -> ()
    %mul3A_348 = arith.constant 20 : i32
    %mul3A_349 = arith.muli %add3A, %mul3A_348 : i32
    %add3A_350 = arith.constant 18 : i32
    %add3A_351 = arith.addi %mul3A_349, %add3A_350 : i32
    %mul3A_352 = arith.constant 256 : i32
    %mul3A_353 = arith.muli %add3A_351, %mul3A_352 : i32
    %multiple_of3A_354 = tpu.assume_multiple %mul3A_353, 256 : i32
    "tpu.region"() ({
      %run_scoped3A = tpu.sem_alloc : memref<!tpu.dma_semaphore, #tpu.memory_space<semaphore_mem>>
      %dma_start3A_398 = tpu.memref_slice %arg3[%multiple_of3A_354] : memref<163840xi32, #tpu.memory_space<hbm>> -> memref<256xi32, #tpu.memory_space<hbm>>
      %dma_start3A_399 = tpu.memref_slice %arg3[%multiple_of3A_354] : memref<163840xi32, #tpu.memory_space<hbm>> -> memref<256xi32, #tpu.memory_space<hbm>>
      tpu.enqueue_dma source(%dma_start3A_399 : memref<256xi32, #tpu.memory_space<hbm>>) target(%arg5 : memref<256xi32, #tpu.memory_space<vmem>>) target_semaphore(%run_scoped3A : memref<!tpu.dma_semaphore, #tpu.memory_space<semaphore_mem>>)
      %dma_wait3A_400 = tpu.memref_slice %arg3[%multiple_of3A_354] : memref<163840xi32, #tpu.memory_space<hbm>> -> memref<256xi32, #tpu.memory_space<hbm>>
      %dma_wait3A_401 = tpu.memref_slice %arg3[%multiple_of3A_354] : memref<163840xi32, #tpu.memory_space<hbm>> -> memref<256xi32, #tpu.memory_space<hbm>>
      tpu.wait_dma2 semaphore(%run_scoped3A : memref<!tpu.dma_semaphore, #tpu.memory_space<semaphore_mem>>) src(%dma_wait3A_401 : memref<256xi32, #tpu.memory_space<hbm>>) dst(%arg5 : memref<256xi32, #tpu.memory_space<vmem>>)
      tpu.yield
    }) : () -> ()
    %dma_start3A_355 = arith.constant 0 : i32
    %dma_start3A_356 = arith.constant 0 : i32
    %dma_start3A_357 = tpu.memref_slice %arg2[%dma_start3A_355, %dma_start3A_356] : memref<8192x128xf32, #tpu.memory_space<hbm>> -> memref<8192x128xf32, #tpu.memory_space<hbm>>
    tpu.enqueue_indirect_dma source(%dma_start3A_357 : memref<8192x128xf32, #tpu.memory_space<hbm>>) target(%arg7 : memref<256x128xf32, #tpu.memory_space<vmem>>) offsets(%arg5 : memref<256xi32, #tpu.memory_space<vmem>>) semaphore(%arg9 : memref<!tpu.dma_semaphore, #tpu.memory_space<semaphore_mem>>)
    %dma_wait3A_358 = arith.constant 0 : i32
    %dma_wait3A_359 = arith.constant 0 : i32
    %dma_wait3A_360 = tpu.memref_slice %arg2[%dma_wait3A_358, %dma_wait3A_359] : memref<8192x128xf32, #tpu.memory_space<hbm>> -> memref<8192x128xf32, #tpu.memory_space<hbm>>
    tpu.wait_indirect_dma semaphore(%arg10 : memref<!tpu.dma_semaphore, #tpu.memory_space<semaphore_mem>>) src(%dma_wait3A_360 : memref<8192x128xf32, #tpu.memory_space<hbm>>) dst(%arg8 : memref<256x128xf32, #tpu.memory_space<vmem>>)
    %mul3A_361 = arith.constant 20 : i32
    %mul3A_362 = arith.muli %add3A, %mul3A_361 : i32
    %add3A_363 = arith.constant 17 : i32
    %add3A_364 = arith.addi %mul3A_362, %add3A_363 : i32
    %mul3A_365 = arith.constant 256 : i32
    %mul3A_366 = arith.muli %add3A_364, %mul3A_365 : i32
    %multiple_of3A_367 = tpu.assume_multiple %mul3A_366, 256 : i32
    "tpu.region"() ({
      %run_scoped3A = tpu.sem_alloc : memref<!tpu.dma_semaphore, #tpu.memory_space<semaphore_mem>>
      %dma_start3A_398 = arith.constant 0 : i32
      %dma_start3A_399 = tpu.memref_slice %arg4[%multiple_of3A_367, %dma_start3A_398] : memref<163840x128xf32, #tpu.memory_space<hbm>> -> memref<256x128xf32, #tpu.memory_space<hbm>>
      %dma_start3A_400 = arith.constant 0 : i32
      %dma_start3A_401 = tpu.memref_slice %arg4[%multiple_of3A_367, %dma_start3A_400] : memref<163840x128xf32, #tpu.memory_space<hbm>> -> memref<256x128xf32, #tpu.memory_space<hbm>>
      tpu.enqueue_dma source(%arg8 : memref<256x128xf32, #tpu.memory_space<vmem>>) target(%dma_start3A_401 : memref<256x128xf32, #tpu.memory_space<hbm>>) target_semaphore(%run_scoped3A : memref<!tpu.dma_semaphore, #tpu.memory_space<semaphore_mem>>)
      %dma_wait3A_402 = arith.constant 0 : i32
      %dma_wait3A_403 = tpu.memref_slice %arg4[%multiple_of3A_367, %dma_wait3A_402] : memref<163840x128xf32, #tpu.memory_space<hbm>> -> memref<256x128xf32, #tpu.memory_space<hbm>>
      %dma_wait3A_404 = arith.constant 0 : i32
      %dma_wait3A_405 = tpu.memref_slice %arg4[%multiple_of3A_367, %dma_wait3A_404] : memref<163840x128xf32, #tpu.memory_space<hbm>> -> memref<256x128xf32, #tpu.memory_space<hbm>>
      tpu.wait_dma2 semaphore(%run_scoped3A : memref<!tpu.dma_semaphore, #tpu.memory_space<semaphore_mem>>) src(%arg8 : memref<256x128xf32, #tpu.memory_space<vmem>>) dst(%dma_wait3A_405 : memref<256x128xf32, #tpu.memory_space<hbm>>)
      tpu.yield
    }) : () -> ()
    %mul3A_368 = arith.constant 20 : i32
    %mul3A_369 = arith.muli %add3A, %mul3A_368 : i32
    %add3A_370 = arith.constant 19 : i32
    %add3A_371 = arith.addi %mul3A_369, %add3A_370 : i32
    %mul3A_372 = arith.constant 256 : i32
    %mul3A_373 = arith.muli %add3A_371, %mul3A_372 : i32
    %multiple_of3A_374 = tpu.assume_multiple %mul3A_373, 256 : i32
    "tpu.region"() ({
      %run_scoped3A = tpu.sem_alloc : memref<!tpu.dma_semaphore, #tpu.memory_space<semaphore_mem>>
      %dma_start3A_398 = tpu.memref_slice %arg3[%multiple_of3A_374] : memref<163840xi32, #tpu.memory_space<hbm>> -> memref<256xi32, #tpu.memory_space<hbm>>
      %dma_start3A_399 = tpu.memref_slice %arg3[%multiple_of3A_374] : memref<163840xi32, #tpu.memory_space<hbm>> -> memref<256xi32, #tpu.memory_space<hbm>>
      tpu.enqueue_dma source(%dma_start3A_399 : memref<256xi32, #tpu.memory_space<hbm>>) target(%arg6 : memref<256xi32, #tpu.memory_space<vmem>>) target_semaphore(%run_scoped3A : memref<!tpu.dma_semaphore, #tpu.memory_space<semaphore_mem>>)
      %dma_wait3A_400 = tpu.memref_slice %arg3[%multiple_of3A_374] : memref<163840xi32, #tpu.memory_space<hbm>> -> memref<256xi32, #tpu.memory_space<hbm>>
      %dma_wait3A_401 = tpu.memref_slice %arg3[%multiple_of3A_374] : memref<163840xi32, #tpu.memory_space<hbm>> -> memref<256xi32, #tpu.memory_space<hbm>>
      tpu.wait_dma2 semaphore(%run_scoped3A : memref<!tpu.dma_semaphore, #tpu.memory_space<semaphore_mem>>) src(%dma_wait3A_401 : memref<256xi32, #tpu.memory_space<hbm>>) dst(%arg6 : memref<256xi32, #tpu.memory_space<vmem>>)
      tpu.yield
    }) : () -> ()
    %dma_start3A_375 = arith.constant 0 : i32
    %dma_start3A_376 = arith.constant 0 : i32
    %dma_start3A_377 = tpu.memref_slice %arg2[%dma_start3A_375, %dma_start3A_376] : memref<8192x128xf32, #tpu.memory_space<hbm>> -> memref<8192x128xf32, #tpu.memory_space<hbm>>
    tpu.enqueue_indirect_dma source(%dma_start3A_377 : memref<8192x128xf32, #tpu.memory_space<hbm>>) target(%arg8 : memref<256x128xf32, #tpu.memory_space<vmem>>) offsets(%arg6 : memref<256xi32, #tpu.memory_space<vmem>>) semaphore(%arg10 : memref<!tpu.dma_semaphore, #tpu.memory_space<semaphore_mem>>)
    %dma_wait3A_378 = arith.constant 0 : i32
    %dma_wait3A_379 = arith.constant 0 : i32
    %dma_wait3A_380 = tpu.memref_slice %arg2[%dma_wait3A_378, %dma_wait3A_379] : memref<8192x128xf32, #tpu.memory_space<hbm>> -> memref<8192x128xf32, #tpu.memory_space<hbm>>
    tpu.wait_indirect_dma semaphore(%arg9 : memref<!tpu.dma_semaphore, #tpu.memory_space<semaphore_mem>>) src(%dma_wait3A_380 : memref<8192x128xf32, #tpu.memory_space<hbm>>) dst(%arg7 : memref<256x128xf32, #tpu.memory_space<vmem>>)
    %mul3A_381 = arith.constant 20 : i32
    %mul3A_382 = arith.muli %add3A, %mul3A_381 : i32
    %add3A_383 = arith.constant 18 : i32
    %add3A_384 = arith.addi %mul3A_382, %add3A_383 : i32
    %mul3A_385 = arith.constant 256 : i32
    %mul3A_386 = arith.muli %add3A_384, %mul3A_385 : i32
    %multiple_of3A_387 = tpu.assume_multiple %mul3A_386, 256 : i32
    "tpu.region"() ({
      %run_scoped3A = tpu.sem_alloc : memref<!tpu.dma_semaphore, #tpu.memory_space<semaphore_mem>>
      %dma_start3A_398 = arith.constant 0 : i32
      %dma_start3A_399 = tpu.memref_slice %arg4[%multiple_of3A_387, %dma_start3A_398] : memref<163840x128xf32, #tpu.memory_space<hbm>> -> memref<256x128xf32, #tpu.memory_space<hbm>>
      %dma_start3A_400 = arith.constant 0 : i32
      %dma_start3A_401 = tpu.memref_slice %arg4[%multiple_of3A_387, %dma_start3A_400] : memref<163840x128xf32, #tpu.memory_space<hbm>> -> memref<256x128xf32, #tpu.memory_space<hbm>>
      tpu.enqueue_dma source(%arg7 : memref<256x128xf32, #tpu.memory_space<vmem>>) target(%dma_start3A_401 : memref<256x128xf32, #tpu.memory_space<hbm>>) target_semaphore(%run_scoped3A : memref<!tpu.dma_semaphore, #tpu.memory_space<semaphore_mem>>)
      %dma_wait3A_402 = arith.constant 0 : i32
      %dma_wait3A_403 = tpu.memref_slice %arg4[%multiple_of3A_387, %dma_wait3A_402] : memref<163840x128xf32, #tpu.memory_space<hbm>> -> memref<256x128xf32, #tpu.memory_space<hbm>>
      %dma_wait3A_404 = arith.constant 0 : i32
      %dma_wait3A_405 = tpu.memref_slice %arg4[%multiple_of3A_387, %dma_wait3A_404] : memref<163840x128xf32, #tpu.memory_space<hbm>> -> memref<256x128xf32, #tpu.memory_space<hbm>>
      tpu.wait_dma2 semaphore(%run_scoped3A : memref<!tpu.dma_semaphore, #tpu.memory_space<semaphore_mem>>) src(%arg7 : memref<256x128xf32, #tpu.memory_space<vmem>>) dst(%dma_wait3A_405 : memref<256x128xf32, #tpu.memory_space<hbm>>)
      tpu.yield
    }) : () -> ()
    %dma_wait3A_388 = arith.constant 0 : i32
    %dma_wait3A_389 = arith.constant 0 : i32
    %dma_wait3A_390 = tpu.memref_slice %arg2[%dma_wait3A_388, %dma_wait3A_389] : memref<8192x128xf32, #tpu.memory_space<hbm>> -> memref<8192x128xf32, #tpu.memory_space<hbm>>
    tpu.wait_indirect_dma semaphore(%arg10 : memref<!tpu.dma_semaphore, #tpu.memory_space<semaphore_mem>>) src(%dma_wait3A_390 : memref<8192x128xf32, #tpu.memory_space<hbm>>) dst(%arg8 : memref<256x128xf32, #tpu.memory_space<vmem>>)
    %mul3A_391 = arith.constant 20 : i32
    %mul3A_392 = arith.muli %add3A, %mul3A_391 : i32
    %add3A_393 = arith.constant 19 : i32
    %add3A_394 = arith.addi %mul3A_392, %add3A_393 : i32
    %mul3A_395 = arith.constant 256 : i32
    %mul3A_396 = arith.muli %add3A_394, %mul3A_395 : i32
    %multiple_of3A_397 = tpu.assume_multiple %mul3A_396, 256 : i32
    "tpu.region"() ({
      %run_scoped3A = tpu.sem_alloc : memref<!tpu.dma_semaphore, #tpu.memory_space<semaphore_mem>>
      %dma_start3A_398 = arith.constant 0 : i32
      %dma_start3A_399 = tpu.memref_slice %arg4[%multiple_of3A_397, %dma_start3A_398] : memref<163840x128xf32, #tpu.memory_space<hbm>> -> memref<256x128xf32, #tpu.memory_space<hbm>>
      %dma_start3A_400 = arith.constant 0 : i32
      %dma_start3A_401 = tpu.memref_slice %arg4[%multiple_of3A_397, %dma_start3A_400] : memref<163840x128xf32, #tpu.memory_space<hbm>> -> memref<256x128xf32, #tpu.memory_space<hbm>>
      tpu.enqueue_dma source(%arg8 : memref<256x128xf32, #tpu.memory_space<vmem>>) target(%dma_start3A_401 : memref<256x128xf32, #tpu.memory_space<hbm>>) target_semaphore(%run_scoped3A : memref<!tpu.dma_semaphore, #tpu.memory_space<semaphore_mem>>)
      %dma_wait3A_402 = arith.constant 0 : i32
      %dma_wait3A_403 = tpu.memref_slice %arg4[%multiple_of3A_397, %dma_wait3A_402] : memref<163840x128xf32, #tpu.memory_space<hbm>> -> memref<256x128xf32, #tpu.memory_space<hbm>>
      %dma_wait3A_404 = arith.constant 0 : i32
      %dma_wait3A_405 = tpu.memref_slice %arg4[%multiple_of3A_397, %dma_wait3A_404] : memref<163840x128xf32, #tpu.memory_space<hbm>> -> memref<256x128xf32, #tpu.memory_space<hbm>>
      tpu.wait_dma2 semaphore(%run_scoped3A : memref<!tpu.dma_semaphore, #tpu.memory_space<semaphore_mem>>) src(%arg8 : memref<256x128xf32, #tpu.memory_space<vmem>>) dst(%dma_wait3A_405 : memref<256x128xf32, #tpu.memory_space<hbm>>)
      tpu.yield
    }) : () -> ()
    return
  }
}

module attributes {stable_mosaic.version = 14 : i64} {
  func.func @_knn_kernel(%arg0: i32, %arg1: i32, %arg2: memref<1x2048x64xf32, #tpu.memory_space<vmem>>, %arg3: memref<1x256x64xf32, #tpu.memory_space<vmem>>, %arg4: memref<1x1x256xf32, #tpu.memory_space<vmem>>, %arg5: memref<1x2048x1xf32, #tpu.memory_space<vmem>>, %arg6: memref<1x20x256xi32, #tpu.memory_space<vmem>>) attributes {dimension_semantics = [#tpu.dimension_semantics<parallel>, #tpu.dimension_semantics<arbitrary>], iteration_bounds = array<i64: 4, 8>, scalar_prefetch = 0 : i64, scratch_operands = 0 : i64, tpu.core_type = #tpu.core_type<tc>, window_params = [{transform_indices = @transform_0, window_bounds = array<i64: 1, 2048, 64>}, {transform_indices = @transform_1, window_bounds = array<i64: 1, 256, 64>}, {transform_indices = @transform_2, window_bounds = array<i64: 1, 1, 256>}, {transform_indices = @transform_3, window_bounds = array<i64: 1, 2048, 1>}, {transform_indices = @transform_4, window_bounds = array<i64: 1, 20, 256>}]} {
    %get3A = arith.constant 0 : index
    %get3A_0 = arith.constant 0 : index
    %get3A_1 = arith.constant 0 : index
    %get3A_2 = vector.load %arg2[%get3A, %get3A_0, %get3A_1] : memref<1x2048x64xf32, #tpu.memory_space<vmem>>, vector<1x2048x64xf32>
    %get3A_3 = vector.shape_cast %get3A_2 : vector<1x2048x64xf32> to vector<2048x64xf32>
    %get3A_4 = arith.constant 0 : index
    %get3A_5 = arith.constant 0 : index
    %get3A_6 = arith.constant 0 : index
    %get3A_7 = vector.load %arg3[%get3A_4, %get3A_5, %get3A_6] : memref<1x256x64xf32, #tpu.memory_space<vmem>>, vector<1x256x64xf32>
    %get3A_8 = vector.shape_cast %get3A_7 : vector<1x256x64xf32> to vector<256x64xf32>
    %dot_general3A = arith.constant dense<0.000000e+00> : vector<2048x256xf32>
    %dot_general3A_9 = tpu.matmul %get3A_3, %get3A_8, %dot_general3A {dimension_numbers = #tpu.dot_dimension_numbers<[1], [1], [0], [0], [0, 0, 1, 0], [], []>, transpose_lhs_hint = false} : vector<2048x64xf32>, vector<256x64xf32>, vector<2048x256xf32> -> vector<2048x256xf32>
    %get3A_10 = arith.constant 0 : index
    %get3A_11 = arith.constant 0 : index
    %get3A_12 = arith.constant 0 : index
    %get3A_13 = vector.load %arg4[%get3A_10, %get3A_11, %get3A_12] : memref<1x1x256xf32, #tpu.memory_space<vmem>>, vector<1x1x256xf32>
    %get3A_14 = vector.shape_cast %get3A_13 : vector<1x1x256xf32> to vector<1x256xf32>
    %mul3A = arith.constant 2.000000e+00 : f32
    %mul3A_15 = vector.broadcast %mul3A : f32 to vector<2048x256xf32>
    %mul3A_16 = arith.mulf %mul3A_15, %dot_general3A_9 : vector<2048x256xf32>
    %sub3A = vector.broadcast %get3A_14 : vector<1x256xf32> to vector<2048x256xf32>
    %sub3A_17 = arith.subf %sub3A, %mul3A_16 : vector<2048x256xf32>
    %get3A_18 = arith.constant 0 : index
    %get3A_19 = arith.constant 0 : index
    %get3A_20 = arith.constant 0 : index
    %get3A_21 = vector.load %arg5[%get3A_18, %get3A_19, %get3A_20] : memref<1x2048x1xf32, #tpu.memory_space<vmem>>, vector<1x2048x1xf32>
    %get3A_22 = vector.shape_cast %get3A_21 : vector<1x2048x1xf32> to vector<2048x1xf32>
    %add3A = vector.broadcast %get3A_22 : vector<2048x1xf32> to vector<2048x256xf32>
    %add3A_23 = arith.addf %sub3A_17, %add3A : vector<2048x256xf32>
    %neg3A = arith.constant 0.000000e+00 : f32
    %neg3A_24 = vector.broadcast %neg3A : f32 to vector<2048x256xf32>
    %neg3A_25 = arith.subf %neg3A_24, %add3A_23 : vector<2048x256xf32>
    %iota3A = tpu.iota {dimensions = array<i32: 0>} : vector<2048x256xi32>
    %iota3A_26 = tpu.iota {dimensions = array<i32: 0>} : vector<20x256xi32>
    %broadcast_in_dim3A = arith.constant 0x7F800000 : f32
    %broadcast_in_dim3A_27 = vector.broadcast %broadcast_in_dim3A : f32 to vector<1x256xf32>
    %broadcast_in_dim3A_28 = arith.constant -1 : i32
    %broadcast_in_dim3A_29 = vector.broadcast %broadcast_in_dim3A_28 : i32 to vector<1x256xi32>
    %broadcast_in_dim3A_30 = arith.constant 0 : i32
    %broadcast_in_dim3A_31 = vector.broadcast %broadcast_in_dim3A_30 : i32 to vector<20x256xi32>
    %scan3A = arith.constant 0 : i32
    %scan3A_32 = arith.constant 20 : i32
    %scan3A_33 = arith.addi %scan3A, %scan3A_32 : i32
    %scan3A_34 = arith.constant 1 : i32
    %scan3A_35:3 = scf.for %scan3A_42 = %scan3A to %scan3A_33 step %scan3A_34 iter_args(%scan3A_43 = %broadcast_in_dim3A_27, %scan3A_44 = %broadcast_in_dim3A_29, %scan3A_45 = %broadcast_in_dim3A_31) -> (vector<1x256xf32>, vector<1x256xi32>, vector<20x256xi32>)  : i32 {
      %lt3A = vector.broadcast %scan3A_43 : vector<1x256xf32> to vector<2048x256xf32>
      %lt3A_46 = arith.cmpf olt, %neg3A_25, %lt3A : vector<2048x256xf32>
      %eq3A = vector.broadcast %scan3A_43 : vector<1x256xf32> to vector<2048x256xf32>
      %eq3A_47 = arith.cmpf oeq, %neg3A_25, %eq3A : vector<2048x256xf32>
      %gt3A = vector.broadcast %scan3A_44 : vector<1x256xi32> to vector<2048x256xi32>
      %gt3A_48 = arith.cmpi sgt, %iota3A, %gt3A : vector<2048x256xi32>
      %and3A = arith.andi %eq3A_47, %gt3A_48 : vector<2048x256xi1>
      %or3A = arith.ori %lt3A_46, %and3A : vector<2048x256xi1>
      %jit3A = arith.constant 0xFF800000 : f32
      %broadcast_in_dim3A_49 = vector.broadcast %jit3A : f32 to vector<2048x256xf32>
      %select_n3A = arith.select %or3A, %neg3A_25, %broadcast_in_dim3A_49 : vector<2048x256xi1>, vector<2048x256xf32>
      %reduce_max3A = arith.constant dense<0xFF800000> : vector<256xf32>
      %reduce_max3A_50 = vector.multi_reduction <maximumf>, %select_n3A, %reduce_max3A [0] : vector<2048x256xf32> to vector<256xf32>
      %broadcast_in_dim3A_51 = vector.shape_cast %reduce_max3A_50 : vector<256xf32> to vector<1x256xf32>
      %eq3A_52 = vector.broadcast %broadcast_in_dim3A_51 : vector<1x256xf32> to vector<2048x256xf32>
      %eq3A_53 = arith.cmpf oeq, %neg3A_25, %eq3A_52 : vector<2048x256xf32>
      %and3A_54 = arith.andi %or3A, %eq3A_53 : vector<2048x256xi1>
      %jit3A_55 = arith.constant 2048 : i32
      %broadcast_in_dim3A_56 = vector.broadcast %jit3A_55 : i32 to vector<2048x256xi32>
      %select_n3A_57 = arith.select %and3A_54, %iota3A, %broadcast_in_dim3A_56 : vector<2048x256xi1>, vector<2048x256xi32>
      %reduce_min3A = arith.constant dense<2147483647> : vector<256xi32>
      %reduce_min3A_58 = vector.multi_reduction <minsi>, %select_n3A_57, %reduce_min3A [0] : vector<2048x256xi32> to vector<256xi32>
      %broadcast_in_dim3A_59 = vector.shape_cast %reduce_min3A_58 : vector<256xi32> to vector<1x256xi32>
      %eq3A_60 = vector.broadcast %scan3A_42 : i32 to vector<20x256xi32>
      %eq3A_61 = arith.cmpi eq, %iota3A_26, %eq3A_60 : vector<20x256xi32>
      %jit3A_62 = arith.constant 0 : i32
      %broadcast_in_dim3A_63 = vector.shape_cast %broadcast_in_dim3A_59 : vector<1x256xi32> to vector<1x256xi32>
      %broadcast_in_dim3A_64 = vector.broadcast %broadcast_in_dim3A_63 : vector<1x256xi32> to vector<20x256xi32>
      %broadcast_in_dim3A_65 = vector.broadcast %jit3A_62 : i32 to vector<20x256xi32>
      %select_n3A_66 = arith.select %eq3A_61, %broadcast_in_dim3A_64, %broadcast_in_dim3A_65 : vector<20x256xi1>, vector<20x256xi32>
      %add3A_67 = arith.addi %scan3A_45, %select_n3A_66 : vector<20x256xi32>
      scf.yield %broadcast_in_dim3A_51, %broadcast_in_dim3A_59, %add3A_67 : vector<1x256xf32>, vector<1x256xi32>, vector<20x256xi32>
    }
    %scan3A_36 = arith.constant 20 : i32
    %swap3A = arith.constant 0 : index
    %swap3A_37 = arith.constant 0 : index
    %swap3A_38 = arith.constant 0 : index
    %swap3A_39 = vector.load %arg6[%swap3A, %swap3A_37, %swap3A_38] : memref<1x20x256xi32, #tpu.memory_space<vmem>>, vector<1x20x256xi32>
    %swap3A_40 = vector.shape_cast %swap3A_39 : vector<1x20x256xi32> to vector<20x256xi32>
    %swap3A_41 = vector.shape_cast %scan3A_35#2 : vector<20x256xi32> to vector<1x20x256xi32>
    tpu.vector_store %arg6[%swap3A, %swap3A_37, %swap3A_38], %swap3A_41 {strides = array<i32>} : memref<1x20x256xi32, #tpu.memory_space<vmem>>, vector<1x20x256xi32>,
    return
  }
  func.func @transform_0(%arg0: i32, %arg1: i32) -> (i32, i32, i32) {
    %c0_i32 = arith.constant 0 : i32
    %c0_i32_0 = arith.constant 0 : i32
    %c0_i32_1 = arith.constant 0 : i32
    return %arg0, %c0_i32, %c0_i32_0 : i32, i32, i32
  }
  func.func @transform_1(%arg0: i32, %arg1: i32) -> (i32, i32, i32) {
    %c0_i32 = arith.constant 0 : i32
    %c0_i32_0 = arith.constant 0 : i32
    return %arg0, %arg1, %c0_i32 : i32, i32, i32
  }
  func.func @transform_2(%arg0: i32, %arg1: i32) -> (i32, i32, i32) {
    %c0_i32 = arith.constant 0 : i32
    %c0_i32_0 = arith.constant 0 : i32
    return %arg0, %c0_i32, %arg1 : i32, i32, i32
  }
  func.func @transform_3(%arg0: i32, %arg1: i32) -> (i32, i32, i32) {
    %c0_i32 = arith.constant 0 : i32
    %c0_i32_0 = arith.constant 0 : i32
    %c0_i32_1 = arith.constant 0 : i32
    return %arg0, %c0_i32, %c0_i32_0 : i32, i32, i32
  }
  func.func @transform_4(%arg0: i32, %arg1: i32) -> (i32, i32, i32) {
    %c0_i32 = arith.constant 0 : i32
    %c0_i32_0 = arith.constant 0 : i32
    return %arg0, %c0_i32, %arg1 : i32, i32, i32
  }
}

module attributes {stable_mosaic.version = 14 : i64} {
  func.func @_edge_kernel(%arg0: i32, %arg1: i32, %arg2: memref<1x256x64xf32, #tpu.memory_space<vmem>>, %arg3: memref<1x256x20x128xf32, #tpu.memory_space<vmem>>, %arg4: memref<128x128xf32, #tpu.memory_space<vmem>>, %arg5: memref<1x128xf32, #tpu.memory_space<vmem>>, %arg6: memref<128x128xf32, #tpu.memory_space<vmem>>, %arg7: memref<1x128xf32, #tpu.memory_space<vmem>>, %arg8: memref<1x256x128xf32, #tpu.memory_space<vmem>>) attributes {dimension_semantics = [#tpu.dimension_semantics<parallel>, #tpu.dimension_semantics<arbitrary>], iteration_bounds = array<i64: 4, 8>, scalar_prefetch = 0 : i64, scratch_operands = 0 : i64, tpu.core_type = #tpu.core_type<tc>, window_params = [{transform_indices = @transform_0, window_bounds = array<i64: 1, 256, 64>}, {transform_indices = @transform_1, window_bounds = array<i64: 1, 256, 20, 128>}, {pipeline_mode = #tpu.pipeline_mode<synchronous>, transform_indices = @transform_2, window_bounds = array<i64: 128, 128>}, {pipeline_mode = #tpu.pipeline_mode<synchronous>, transform_indices = @transform_3, window_bounds = array<i64: 1, 128>}, {pipeline_mode = #tpu.pipeline_mode<synchronous>, transform_indices = @transform_4, window_bounds = array<i64: 128, 128>}, {pipeline_mode = #tpu.pipeline_mode<synchronous>, transform_indices = @transform_5, window_bounds = array<i64: 1, 128>}, {transform_indices = @transform_6, window_bounds = array<i64: 1, 256, 128>}]} {
    %get3A = arith.constant 0 : index
    %get3A_0 = arith.constant 0 : index
    %get3A_1 = arith.constant 0 : index
    %get3A_2 = vector.load %arg2[%get3A, %get3A_0, %get3A_1] : memref<1x256x64xf32, #tpu.memory_space<vmem>>, vector<1x256x64xf32>
    %get3A_3 = vector.shape_cast %get3A_2 : vector<1x256x64xf32> to vector<256x64xf32>
    %get3A_4 = arith.constant 0 : index
    %get3A_5 = arith.constant 0 : index
    %get3A_6 = arith.constant 0 : index
    %get3A_7 = arith.constant 0 : index
    %get3A_8 = vector.load %arg3[%get3A_4, %get3A_5, %get3A_6, %get3A_7] : memref<1x256x20x128xf32, #tpu.memory_space<vmem>>, vector<1x256x20x128xf32>
    %get3A_9 = vector.shape_cast %get3A_8 : vector<1x256x20x128xf32> to vector<256x20x128xf32>
    %slice3A = vector.extract_strided_slice %get3A_9 {offsets = [0, 0, 0], sizes = [256, 20, 64], strides = [1, 1, 1]} : vector<256x20x128xf32> to vector<256x20x64xf32>
    %broadcast_in_dim3A = vector.shape_cast %get3A_3 : vector<256x64xf32> to vector<256x1x64xf32>
    %broadcast_in_dim3A_10 = vector.shape_cast %broadcast_in_dim3A : vector<256x1x64xf32> to vector<256x1x64xf32>
    %broadcast_in_dim3A_11 = vector.broadcast %broadcast_in_dim3A_10 : vector<256x1x64xf32> to vector<256x20x64xf32>
    %sub3A = arith.subf %slice3A, %broadcast_in_dim3A_11 : vector<256x20x64xf32>
    %concatenate3A = tpu.concatenate %broadcast_in_dim3A_11, %sub3A in 2 : vector<256x20x64xf32>, vector<256x20x64xf32> -> vector<256x20x128xf32>
    %reshape3A = vector.shape_cast %concatenate3A : vector<256x20x128xf32> to vector<5120x128xf32>
    %get3A_12 = arith.constant 0 : index
    %get3A_13 = arith.constant 0 : index
    %get3A_14 = vector.load %arg4[%get3A_12, %get3A_13] : memref<128x128xf32, #tpu.memory_space<vmem>>, vector<128x128xf32>
    %dot_general3A = arith.constant dense<0.000000e+00> : vector<5120x128xf32>
    %dot_general3A_15 = tpu.matmul %reshape3A, %get3A_14, %dot_general3A {dimension_numbers = #tpu.dot_dimension_numbers<[1], [0], [0], [1], [0, 0, 1, 1], [], []>, transpose_lhs_hint = false} : vector<5120x128xf32>, vector<128x128xf32>, vector<5120x128xf32> -> vector<5120x128xf32>
    %get3A_16 = arith.constant 0 : index
    %get3A_17 = arith.constant 0 : index
    %get3A_18 = vector.load %arg5[%get3A_16, %get3A_17] : memref<1x128xf32, #tpu.memory_space<vmem>>, vector<1x128xf32>
    %add3A = vector.broadcast %get3A_18 : vector<1x128xf32> to vector<5120x128xf32>
    %add3A_19 = arith.addf %dot_general3A_15, %add3A : vector<5120x128xf32>
    %ge3A = arith.constant 0.000000e+00 : f32
    %ge3A_20 = vector.broadcast %ge3A : f32 to vector<5120x128xf32>
    %ge3A_21 = arith.cmpf oge, %add3A_19, %ge3A_20 : vector<5120x128xf32>
    %mul3A = arith.constant 2.000000e-01 : f32
    %mul3A_22 = vector.broadcast %mul3A : f32 to vector<5120x128xf32>
    %mul3A_23 = arith.mulf %mul3A_22, %add3A_19 : vector<5120x128xf32>
    %select_n3A = arith.select %ge3A_21, %add3A_19, %mul3A_23 : vector<5120x128xi1>, vector<5120x128xf32>
    %get3A_24 = arith.constant 0 : index
    %get3A_25 = arith.constant 0 : index
    %get3A_26 = vector.load %arg6[%get3A_24, %get3A_25] : memref<128x128xf32, #tpu.memory_space<vmem>>, vector<128x128xf32>
    %dot_general3A_27 = arith.constant dense<0.000000e+00> : vector<5120x128xf32>
    %dot_general3A_28 = tpu.matmul %select_n3A, %get3A_26, %dot_general3A_27 {dimension_numbers = #tpu.dot_dimension_numbers<[1], [0], [0], [1], [0, 0, 1, 1], [], []>, transpose_lhs_hint = false} : vector<5120x128xf32>, vector<128x128xf32>, vector<5120x128xf32> -> vector<5120x128xf32>
    %get3A_29 = arith.constant 0 : index
    %get3A_30 = arith.constant 0 : index
    %get3A_31 = vector.load %arg7[%get3A_29, %get3A_30] : memref<1x128xf32, #tpu.memory_space<vmem>>, vector<1x128xf32>
    %add3A_32 = vector.broadcast %get3A_31 : vector<1x128xf32> to vector<5120x128xf32>
    %add3A_33 = arith.addf %dot_general3A_28, %add3A_32 : vector<5120x128xf32>
    %ge3A_34 = arith.constant 0.000000e+00 : f32
    %ge3A_35 = vector.broadcast %ge3A_34 : f32 to vector<5120x128xf32>
    %ge3A_36 = arith.cmpf oge, %add3A_33, %ge3A_35 : vector<5120x128xf32>
    %mul3A_37 = arith.constant 2.000000e-01 : f32
    %mul3A_38 = vector.broadcast %mul3A_37 : f32 to vector<5120x128xf32>
    %mul3A_39 = arith.mulf %mul3A_38, %add3A_33 : vector<5120x128xf32>
    %select_n3A_40 = arith.select %ge3A_36, %add3A_33, %mul3A_39 : vector<5120x128xi1>, vector<5120x128xf32>
    %reshape3A_41 = vector.shape_cast %select_n3A_40 : vector<5120x128xf32> to vector<256x20x128xf32>
    %reduce_max3A = arith.constant dense<0xFF800000> : vector<256x128xf32>
    %reduce_max3A_42 = vector.multi_reduction <maximumf>, %reshape3A_41, %reduce_max3A [1] : vector<256x20x128xf32> to vector<256x128xf32>
    %swap3A = arith.constant 0 : index
    %swap3A_43 = arith.constant 0 : index
    %swap3A_44 = arith.constant 0 : index
    %swap3A_45 = vector.load %arg8[%swap3A, %swap3A_43, %swap3A_44] : memref<1x256x128xf32, #tpu.memory_space<vmem>>, vector<1x256x128xf32>
    %swap3A_46 = vector.shape_cast %swap3A_45 : vector<1x256x128xf32> to vector<256x128xf32>
    %swap3A_47 = vector.shape_cast %reduce_max3A_42 : vector<256x128xf32> to vector<1x256x128xf32>
    tpu.vector_store %arg8[%swap3A, %swap3A_43, %swap3A_44], %swap3A_47 {strides = array<i32>} : memref<1x256x128xf32, #tpu.memory_space<vmem>>, vector<1x256x128xf32>,
    return
  }
  func.func @transform_0(%arg0: i32, %arg1: i32) -> (i32, i32, i32) {
    %c0_i32 = arith.constant 0 : i32
    %c0_i32_0 = arith.constant 0 : i32
    return %arg0, %arg1, %c0_i32 : i32, i32, i32
  }
  func.func @transform_1(%arg0: i32, %arg1: i32) -> (i32, i32, i32, i32) {
    %c0_i32 = arith.constant 0 : i32
    %c0_i32_0 = arith.constant 0 : i32
    %c0_i32_1 = arith.constant 0 : i32
    return %arg0, %arg1, %c0_i32, %c0_i32_0 : i32, i32, i32, i32
  }
  func.func @transform_2(%arg0: i32, %arg1: i32) -> (i32, i32) {
    %c0_i32 = arith.constant 0 : i32
    %c0_i32_0 = arith.constant 0 : i32
    %c0_i32_1 = arith.constant 0 : i32
    return %c0_i32, %c0_i32_0 : i32, i32
  }
  func.func @transform_3(%arg0: i32, %arg1: i32) -> (i32, i32) {
    %c0_i32 = arith.constant 0 : i32
    %c0_i32_0 = arith.constant 0 : i32
    %c0_i32_1 = arith.constant 0 : i32
    return %c0_i32, %c0_i32_0 : i32, i32
  }
  func.func @transform_4(%arg0: i32, %arg1: i32) -> (i32, i32) {
    %c0_i32 = arith.constant 0 : i32
    %c0_i32_0 = arith.constant 0 : i32
    %c0_i32_1 = arith.constant 0 : i32
    return %c0_i32, %c0_i32_0 : i32, i32
  }
  func.func @transform_5(%arg0: i32, %arg1: i32) -> (i32, i32) {
    %c0_i32 = arith.constant 0 : i32
    %c0_i32_0 = arith.constant 0 : i32
    %c0_i32_1 = arith.constant 0 : i32
    return %c0_i32, %c0_i32_0 : i32, i32
  }
  func.func @transform_6(%arg0: i32, %arg1: i32) -> (i32, i32, i32) {
    %c0_i32 = arith.constant 0 : i32
    %c0_i32_0 = arith.constant 0 : i32
    return %arg0, %arg1, %c0_i32 : i32, i32, i32
  }
}

module attributes {stable_mosaic.version = 14 : i64} {
  func.func @_idgcn_kernel(%arg0: i32, %arg1: i32, %arg2: memref<1x2048x128xf32, #tpu.memory_space<vmem>>, %arg3: memref<1x256x128xf32, #tpu.memory_space<vmem>>, %arg4: memref<1x1x256xf32, #tpu.memory_space<vmem>>, %arg5: memref<1x2048x1xf32, #tpu.memory_space<vmem>>, %arg6: memref<128x128xf32, #tpu.memory_space<vmem>>, %arg7: memref<128x128xf32, #tpu.memory_space<vmem>>, %arg8: memref<1x128xf32, #tpu.memory_space<vmem>>, %arg9: memref<1x256x128xf32, #tpu.memory_space<vmem>>) attributes {dimension_semantics = [#tpu.dimension_semantics<parallel>, #tpu.dimension_semantics<arbitrary>], iteration_bounds = array<i64: 4, 8>, scalar_prefetch = 0 : i64, scratch_operands = 0 : i64, tpu.core_type = #tpu.core_type<tc>, window_params = [{transform_indices = @transform_0, window_bounds = array<i64: 1, 2048, 128>}, {transform_indices = @transform_1, window_bounds = array<i64: 1, 256, 128>}, {transform_indices = @transform_2, window_bounds = array<i64: 1, 1, 256>}, {transform_indices = @transform_3, window_bounds = array<i64: 1, 2048, 1>}, {pipeline_mode = #tpu.pipeline_mode<synchronous>, transform_indices = @transform_4, window_bounds = array<i64: 128, 128>}, {pipeline_mode = #tpu.pipeline_mode<synchronous>, transform_indices = @transform_5, window_bounds = array<i64: 128, 128>}, {pipeline_mode = #tpu.pipeline_mode<synchronous>, transform_indices = @transform_6, window_bounds = array<i64: 1, 128>}, {transform_indices = @transform_7, window_bounds = array<i64: 1, 256, 128>}]} {
    %get3A = arith.constant 0 : index
    %get3A_0 = arith.constant 0 : index
    %get3A_1 = arith.constant 0 : index
    %get3A_2 = vector.load %arg2[%get3A, %get3A_0, %get3A_1] : memref<1x2048x128xf32, #tpu.memory_space<vmem>>, vector<1x2048x128xf32>
    %get3A_3 = vector.shape_cast %get3A_2 : vector<1x2048x128xf32> to vector<2048x128xf32>
    %get3A_4 = arith.constant 0 : index
    %get3A_5 = arith.constant 0 : index
    %get3A_6 = arith.constant 0 : index
    %get3A_7 = vector.load %arg3[%get3A_4, %get3A_5, %get3A_6] : memref<1x256x128xf32, #tpu.memory_space<vmem>>, vector<1x256x128xf32>
    %get3A_8 = vector.shape_cast %get3A_7 : vector<1x256x128xf32> to vector<256x128xf32>
    %dot_general3A = arith.constant dense<0.000000e+00> : vector<2048x256xf32>
    %dot_general3A_9 = tpu.matmul %get3A_3, %get3A_8, %dot_general3A {dimension_numbers = #tpu.dot_dimension_numbers<[1], [1], [0], [0], [0, 0, 1, 0], [], []>, transpose_lhs_hint = false} : vector<2048x128xf32>, vector<256x128xf32>, vector<2048x256xf32> -> vector<2048x256xf32>
    %get3A_10 = arith.constant 0 : index
    %get3A_11 = arith.constant 0 : index
    %get3A_12 = arith.constant 0 : index
    %get3A_13 = vector.load %arg4[%get3A_10, %get3A_11, %get3A_12] : memref<1x1x256xf32, #tpu.memory_space<vmem>>, vector<1x1x256xf32>
    %get3A_14 = vector.shape_cast %get3A_13 : vector<1x1x256xf32> to vector<1x256xf32>
    %mul3A = arith.constant 2.000000e+00 : f32
    %mul3A_15 = vector.broadcast %mul3A : f32 to vector<2048x256xf32>
    %mul3A_16 = arith.mulf %mul3A_15, %dot_general3A_9 : vector<2048x256xf32>
    %sub3A = vector.broadcast %get3A_14 : vector<1x256xf32> to vector<2048x256xf32>
    %sub3A_17 = arith.subf %sub3A, %mul3A_16 : vector<2048x256xf32>
    %get3A_18 = arith.constant 0 : index
    %get3A_19 = arith.constant 0 : index
    %get3A_20 = arith.constant 0 : index
    %get3A_21 = vector.load %arg5[%get3A_18, %get3A_19, %get3A_20] : memref<1x2048x1xf32, #tpu.memory_space<vmem>>, vector<1x2048x1xf32>
    %get3A_22 = vector.shape_cast %get3A_21 : vector<1x2048x1xf32> to vector<2048x1xf32>
    %add3A = vector.broadcast %get3A_22 : vector<2048x1xf32> to vector<2048x256xf32>
    %add3A_23 = arith.addf %sub3A_17, %add3A : vector<2048x256xf32>
    %neg3A = arith.constant 0.000000e+00 : f32
    %neg3A_24 = vector.broadcast %neg3A : f32 to vector<2048x256xf32>
    %neg3A_25 = arith.subf %neg3A_24, %add3A_23 : vector<2048x256xf32>
    %broadcast_in_dim3A = arith.constant 0x7F800000 : f32
    %broadcast_in_dim3A_26 = vector.broadcast %broadcast_in_dim3A : f32 to vector<1x256xf32>
    %scan3A = arith.constant 0 : i32
    %scan3A_27 = arith.constant 20 : i32
    %scan3A_28 = arith.addi %scan3A, %scan3A_27 : i32
    %scan3A_29 = arith.constant 1 : i32
    %scan3A_30 = scf.for %scan3A_65 = %scan3A to %scan3A_28 step %scan3A_29 iter_args(%scan3A_66 = %broadcast_in_dim3A_26) -> (vector<1x256xf32>)  : i32 {
      %lt3A = vector.broadcast %scan3A_66 : vector<1x256xf32> to vector<2048x256xf32>
      %lt3A_67 = arith.cmpf olt, %neg3A_25, %lt3A : vector<2048x256xf32>
      %jit3A = arith.constant 0xFF800000 : f32
      %broadcast_in_dim3A_68 = vector.broadcast %jit3A : f32 to vector<2048x256xf32>
      %select_n3A_69 = arith.select %lt3A_67, %neg3A_25, %broadcast_in_dim3A_68 : vector<2048x256xi1>, vector<2048x256xf32>
      %reduce_max3A = arith.constant dense<0xFF800000> : vector<256xf32>
      %reduce_max3A_70 = vector.multi_reduction <maximumf>, %select_n3A_69, %reduce_max3A [0] : vector<2048x256xf32> to vector<256xf32>
      %broadcast_in_dim3A_71 = vector.shape_cast %reduce_max3A_70 : vector<256xf32> to vector<1x256xf32>
      scf.yield %broadcast_in_dim3A_71 : vector<1x256xf32>
    }
    %ge3A = vector.broadcast %scan3A_30 : vector<1x256xf32> to vector<2048x256xf32>
    %ge3A_31 = arith.cmpf oge, %neg3A_25, %ge3A : vector<2048x256xf32>
    %convert_element_type3A = arith.extui %ge3A_31 : vector<2048x256xi1> to vector<2048x256xi32>
    %convert_element_type3A_32 = arith.sitofp %convert_element_type3A : vector<2048x256xi32> to vector<2048x256xf32>
    %dot_general3A_33 = arith.constant dense<0.000000e+00> : vector<256x128xf32>
    %dot_general3A_34 = tpu.matmul %convert_element_type3A_32, %get3A_3, %dot_general3A_33 {dimension_numbers = #tpu.dot_dimension_numbers<[0], [0], [1], [1], [0, 1, 1, 1], [], []>, precision = #tpu.contract_precision<fp32>, transpose_lhs_hint = false} : vector<2048x256xf32>, vector<2048x128xf32>, vector<256x128xf32> -> vector<256x128xf32>
    %div3A = arith.constant 2.000000e+01 : f32
    %div3A_35 = vector.broadcast %div3A : f32 to vector<256x128xf32>
    %div3A_36 = arith.divf %dot_general3A_34, %div3A_35 : vector<256x128xf32>
    %get3A_37 = arith.constant 0 : index
    %get3A_38 = arith.constant 0 : index
    %get3A_39 = vector.load %arg6[%get3A_37, %get3A_38] : memref<128x128xf32, #tpu.memory_space<vmem>>, vector<128x128xf32>
    %dot_general3A_40 = arith.constant dense<0.000000e+00> : vector<256x128xf32>
    %dot_general3A_41 = tpu.matmul %get3A_8, %get3A_39, %dot_general3A_40 {dimension_numbers = #tpu.dot_dimension_numbers<[1], [0], [0], [1], [0, 0, 1, 1], [], []>, transpose_lhs_hint = false} : vector<256x128xf32>, vector<128x128xf32>, vector<256x128xf32> -> vector<256x128xf32>
    %get3A_42 = arith.constant 0 : index
    %get3A_43 = arith.constant 0 : index
    %get3A_44 = vector.load %arg7[%get3A_42, %get3A_43] : memref<128x128xf32, #tpu.memory_space<vmem>>, vector<128x128xf32>
    %dot_general3A_45 = arith.constant dense<0.000000e+00> : vector<256x128xf32>
    %dot_general3A_46 = tpu.matmul %div3A_36, %get3A_44, %dot_general3A_45 {dimension_numbers = #tpu.dot_dimension_numbers<[1], [0], [0], [1], [0, 0, 1, 1], [], []>, transpose_lhs_hint = false} : vector<256x128xf32>, vector<128x128xf32>, vector<256x128xf32> -> vector<256x128xf32>
    %add3A_47 = arith.addf %dot_general3A_41, %dot_general3A_46 : vector<256x128xf32>
    %get3A_48 = arith.constant 0 : index
    %get3A_49 = arith.constant 0 : index
    %get3A_50 = vector.load %arg8[%get3A_48, %get3A_49] : memref<1x128xf32, #tpu.memory_space<vmem>>, vector<1x128xf32>
    %add3A_51 = vector.broadcast %get3A_50 : vector<1x128xf32> to vector<256x128xf32>
    %add3A_52 = arith.addf %add3A_47, %add3A_51 : vector<256x128xf32>
    %ge3A_53 = arith.constant 0.000000e+00 : f32
    %ge3A_54 = vector.broadcast %ge3A_53 : f32 to vector<256x128xf32>
    %ge3A_55 = arith.cmpf oge, %add3A_52, %ge3A_54 : vector<256x128xf32>
    %mul3A_56 = arith.constant 2.000000e-01 : f32
    %mul3A_57 = vector.broadcast %mul3A_56 : f32 to vector<256x128xf32>
    %mul3A_58 = arith.mulf %mul3A_57, %add3A_52 : vector<256x128xf32>
    %select_n3A = arith.select %ge3A_55, %add3A_52, %mul3A_58 : vector<256x128xi1>, vector<256x128xf32>
    %add3A_59 = arith.addf %get3A_8, %select_n3A : vector<256x128xf32>
    %swap3A = arith.constant 0 : index
    %swap3A_60 = arith.constant 0 : index
    %swap3A_61 = arith.constant 0 : index
    %swap3A_62 = vector.load %arg9[%swap3A, %swap3A_60, %swap3A_61] : memref<1x256x128xf32, #tpu.memory_space<vmem>>, vector<1x256x128xf32>
    %swap3A_63 = vector.shape_cast %swap3A_62 : vector<1x256x128xf32> to vector<256x128xf32>
    %swap3A_64 = vector.shape_cast %add3A_59 : vector<256x128xf32> to vector<1x256x128xf32>
    tpu.vector_store %arg9[%swap3A, %swap3A_60, %swap3A_61], %swap3A_64 {strides = array<i32>} : memref<1x256x128xf32, #tpu.memory_space<vmem>>, vector<1x256x128xf32>,
    return
  }
  func.func @transform_0(%arg0: i32, %arg1: i32) -> (i32, i32, i32) {
    %c0_i32 = arith.constant 0 : i32
    %c0_i32_0 = arith.constant 0 : i32
    %c0_i32_1 = arith.constant 0 : i32
    return %arg0, %c0_i32, %c0_i32_0 : i32, i32, i32
  }
  func.func @transform_1(%arg0: i32, %arg1: i32) -> (i32, i32, i32) {
    %c0_i32 = arith.constant 0 : i32
    %c0_i32_0 = arith.constant 0 : i32
    return %arg0, %arg1, %c0_i32 : i32, i32, i32
  }
  func.func @transform_2(%arg0: i32, %arg1: i32) -> (i32, i32, i32) {
    %c0_i32 = arith.constant 0 : i32
    %c0_i32_0 = arith.constant 0 : i32
    return %arg0, %c0_i32, %arg1 : i32, i32, i32
  }
  func.func @transform_3(%arg0: i32, %arg1: i32) -> (i32, i32, i32) {
    %c0_i32 = arith.constant 0 : i32
    %c0_i32_0 = arith.constant 0 : i32
    %c0_i32_1 = arith.constant 0 : i32
    return %arg0, %c0_i32, %c0_i32_0 : i32, i32, i32
  }
  func.func @transform_4(%arg0: i32, %arg1: i32) -> (i32, i32) {
    %c0_i32 = arith.constant 0 : i32
    %c0_i32_0 = arith.constant 0 : i32
    %c0_i32_1 = arith.constant 0 : i32
    return %c0_i32, %c0_i32_0 : i32, i32
  }
  func.func @transform_5(%arg0: i32, %arg1: i32) -> (i32, i32) {
    %c0_i32 = arith.constant 0 : i32
    %c0_i32_0 = arith.constant 0 : i32
    %c0_i32_1 = arith.constant 0 : i32
    return %c0_i32, %c0_i32_0 : i32, i32
  }
  func.func @transform_6(%arg0: i32, %arg1: i32) -> (i32, i32) {
    %c0_i32 = arith.constant 0 : i32
    %c0_i32_0 = arith.constant 0 : i32
    %c0_i32_1 = arith.constant 0 : i32
    return %c0_i32, %c0_i32_0 : i32, i32
  }
  func.func @transform_7(%arg0: i32, %arg1: i32) -> (i32, i32, i32) {
    %c0_i32 = arith.constant 0 : i32
    %c0_i32_0 = arith.constant 0 : i32
    return %arg0, %arg1, %c0_i32 : i32, i32, i32
  }
}

</mosaic_0001>

<sc_bundles>
// kernel: kernel.8.cloned.1.call-start
scs
__scs_entry_jumppad:
0x0: {  	(pc) =	sbr.rel $0x88, $3  }
0x1: {  	(tag) =	ssettag $0x0;
	lr =	simm.s32 $0x1  }
0x2: {  	[smem:$0x3F93] =	sst lr;
	_ =	strace $0xD0000000  }
0x3: {  	_ = 	snop  }
0x4: {  	_ = 	snop  }
0x5: {  	_ = 	snop  }
0x6: {  	_ = 	snop  }
0x7: {  	_ = 	snop  }
__scs_overlays_trampoline_lowered:
0x8: {  	[smem:$0x3FA2] =	sst s0  }
0x9: {  	[smem:$0x3FA3] =	sst s1  }
0xa: {  	[smem:$0x3FA4] =	sst s2  }
0xb: {  	[smem:$0x3FA5] =	sst s3  }
0xc: {  	[smem:$0x3FA6] =	sst s4  }
0xd: {  	[smem:$0x3FA7] =	sst s5  }
0xe: {  	[smem:$0x3FA8] =	sst s6  }
0xf: {  	[smem:$0x3FA9] =	sst s7  }
0x10: {  	[smem:$0x3FAA] =	sst s8  }
0x11: {  	[smem:$0x3FAB] =	sst s9;
	s0 =	simm.s32 @!p0 $0x0  }
0x12: {  	s1 =	sld [smem:$0x3F91];
	s0 =	simm.s32 @p0 $0x1  }
0x13: {  	[smem:$0x3FAC] =	sst s0;
	s0 =	simm.s32 @!p1 $0x0  }
0x14: {  	s2 =	sld [smem:$0x3F90];
	s0 =	simm.s32 @p1 $0x1  }
0x15: {  	[smem:$0x3FAD] =	sst s0;
	s0 =	simm.s32 @!p2 $0x0  }
0x16: {  	s3 =	sld [smem:$0x3FDB];
	s0 =	simm.s32 @p2 $0x1  }
0x17: {  	s4 =	simm.s32 $0x1BF5;
	[smem:$0x3FAF] =	sst s0  }
0x18: {  	s0 =	sld [smem:$0x3F92];
	_ =	swait.ge [sflag:s4], $0x0  }
0x19: {  	s7 =	sld [smem:$0x3F93]  }
0x1a: {  	s8 =	sadd.s32 $0xFFFFE003, lr  }
0x1b: {  	s9 =	sadd.s32 $0xFFFFFEF7, lr;
	s5 =	simm.s32 $0xFFFFFFFF;
	p2 =	slt.u32 s8, $0xFFFFF086  }
0x1c: {  	p1 =	slt.u32 s9, $0xF7A;
	s5 =	simm.s32 @!p2 $0x0  }
0x1d: {  	s5 =	simm.s32 @p1 $0x1;
	p0 =	seq.s32 s7, s2  }
0x1e: {  	s7 =	smul.u32 @!p0 $0xF7A, s2;
	p2 =	seq.s32 @!p0 s5, $0x0  }
0x1f: {  	s9 =	smul.u32 $0xF7A, s1;
	s8 =	simm.s32 @!p0 $0x1BF5;
	p2 =	por !p2, p0  }
0x20: {  	[sflag:s8] =	ssyncset.s32 @!p0 $0xFFFFF086;
	s6 =	sadd.s32 @!p0 s3, s7;
	s7 =	simm.s32 @!p0 $0x108  }
0x21: {  	s3 =	sadd.s32 s3, s9;
	s6 =	sadd.s32 @!p0 $0x88, s6;
	s7 =	simm.s32 @p2 $0x1082  }
0x22: {  	[simem:s7], [sflag:s8] =	dma.local @!p0 [hbm:s6], $0xF7A  }
0x23: {  	s9 =	sor.u32 $0xD0000000, s2;
	s6 =	simm.s32 $0x108;
	_ =	swait.ge @!p0 [sflag:s8], $0x0  }
0x24: {  	s3 =	sadd.s32 $0x88, s3;
	s6 =	simm.s32 @!p1 $0x1082;
	[sflag:s4] =	ssyncset.s32 $0xFFFFF086  }
0x25: {  	[simem:s6], [sflag:s4] =	dma.local [hbm:s3], $0xF7A  }
0x26: {  	[smem:$0x3F93] =	sst s1;
	(tag) =	ssettag s2;
	_ =	strace s9  }
0x27: {  	s1 =	sld [smem:$0x3FA3]  }
0x28: {  	s2 =	sld [smem:$0x3FA4]  }
0x29: {  	s4 =	sld [smem:$0x3FA6]  }
0x2a: {  	p0 =	seq.s32 s5, $0x0;
	s5 =	sld [smem:$0x3FA7]  }
0x2b: {  	s6 =	sld [smem:$0x3FA8]  }
0x2c: {  	s7 =	sld [smem:$0x3FA9]  }
0x2d: {  	s3 =	simm.s32 $0x108;
	s8 =	sld [smem:$0x3FAA]  }
0x2e: {  	s3 =	simm.s32 @!p0 $0x1082;
	s9 =	sld [smem:$0x3FAB]  }
0x2f: {  	lr =	sadd.s32 s0, s3;
	s0 =	sld [smem:$0x3FA2]  }
0x30: {  	s3 =	sld [smem:$0x3FA5]  }
0x31: {  	[smem:$0x3FAE] =	sst s10  }
0x32: {  	s10 =	sld [smem:$0x3FAC];
	_ =	sdelay $0x3  }
0x33: {  	p0 =	seq.s32 s10, $0x1;
	s10 =	sld [smem:$0x3FAE];
	_ =	sdelay $0x3  }
0x34: {  	[smem:$0x3FAE] =	sst s10  }
0x35: {  	s10 =	sld [smem:$0x3FAD];
	_ =	sdelay $0x3  }
0x36: {  	p1 =	seq.s32 s10, $0x1;
	s10 =	sld [smem:$0x3FAE];
	_ =	sdelay $0x3  }
0x37: {  	[smem:$0x3FAE] =	sst s10  }
0x38: {  	s10 =	sld [smem:$0x3FAF]  }
0x39: {  	_ = 	snop;
	(pc) =	sbr.ind lr, $3  }
0x3a: {  	_ = 	snop  }
0x3b: {  	_ = 	snop  }
0x3c: {  	p2 =	seq.s32 s10, $0x1;
	s10 =	sld [smem:$0x3FAE]  }
0x3d: {  	_ =	shalt  }
0x3e: {  	_ =	shalt  }
0x3f: {  	_ =	shalt  }
0x40: {  	_ =	shalt  }
0x41: {  	_ =	shalt  }
0x42: {  	_ =	shalt  }
0x43: {  	_ =	shalt  }
0x44: {  	_ =	shalt  }
0x45: {  	_ =	shalt  }
0x46: {  	_ =	shalt  }
0x47: {  	_ =	shalt  }
0x48: {  	_ =	shalt  }
0x49: {  	_ =	shalt  }
0x4a: {  	_ =	shalt  }
0x4b: {  	_ =	shalt  }
0x4c: {  	_ =	shalt  }
0x4d: {  	_ =	shalt  }
0x4e: {  	_ =	shalt  }
0x4f: {  	_ =	shalt  }
0x50: {  	_ =	shalt  }
0x51: {  	_ =	shalt  }
0x52: {  	_ =	shalt  }
0x53: {  	_ =	shalt  }
0x54: {  	_ =	shalt  }
0x55: {  	_ =	shalt  }
0x56: {  	_ =	shalt  }
0x57: {  	_ =	shalt  }
0x58: {  	_ =	shalt  }
0x59: {  	_ =	shalt  }
0x5a: {  	_ =	shalt  }
0x5b: {  	_ =	shalt  }
0x5c: {  	_ =	shalt  }
0x5d: {  	_ =	shalt  }
0x5e: {  	_ =	shalt  }
0x5f: {  	_ =	shalt  }
0x60: {  	_ =	shalt  }
0x61: {  	_ =	shalt  }
0x62: {  	_ =	shalt  }
0x63: {  	_ =	shalt  }
0x64: {  	_ =	shalt  }
0x65: {  	_ =	shalt  }
0x66: {  	_ =	shalt  }
0x67: {  	_ =	shalt  }
0x68: {  	_ =	shalt  }
0x69: {  	_ =	shalt  }
0x6a: {  	_ =	shalt  }
0x6b: {  	_ =	shalt  }
0x6c: {  	_ =	shalt  }
0x6d: {  	_ =	shalt  }
0x6e: {  	_ =	shalt  }
0x6f: {  	_ =	shalt  }
0x70: {  	_ =	shalt  }
0x71: {  	_ =	shalt  }
0x72: {  	_ =	shalt  }
0x73: {  	_ =	shalt  }
0x74: {  	_ =	shalt  }
0x75: {  	_ =	shalt  }
0x76: {  	_ =	shalt  }
0x77: {  	_ =	shalt  }
0x78: {  	_ =	shalt  }
0x79: {  	_ =	shalt  }
0x7a: {  	_ =	shalt  }
0x7b: {  	_ =	shalt  }
0x7c: {  	_ =	shalt  }
0x7d: {  	_ =	shalt  }
0x7e: {  	_ =	shalt  }
0x7f: {  	_ =	shalt  }
0x80: {  	_ =	shalt  }
0x81: {  	_ =	shalt  }
0x82: {  	_ =	shalt  }
0x83: {  	_ =	shalt  }
0x84: {  	_ =	shalt  }
0x85: {  	_ =	shalt  }
0x86: {  	_ =	shalt  }
0x87: {  	_ =	shalt  }
.Lfunc_end0:
.L_simem_size_0:
called_computation_lowered:
.L_overlay_start_0:
0x88: {  	s2 =	sld [smem:$0x3FD9]  }
0x89: {  	s3 =	sld [smem:$0x3FFE];
	_ =	sdelay $0x1  }
0x8a: {  	s1 =	srdreg.scid  }
0x8b: {  	s0 =	sand.u32 $0x1, s1  }
0x8c: {  	s17 =	sshll.u32 s0, $0xA;
	s2 =	sadd.s32 s3, s2  }
0x8d: {  	s2 =	sadd.s32 s2, s17  }
0x8e: {  	[smem:$0x3FBA] =	sst s2  }
0x8f: {  	_ = 	snop  }
0x90: {  	s2 =	sld [smem:$0x3FD0];
	(tm) =	ssettm $0x1  }
0x91: {  	s18 =	sld [smem:$0x3FFB];
	_ =	sdelay $0x3  }
0x92: {  	_ =	strace s18  }
0x93: {  	s3 =	sld [smem:$0x3FFC];
	_ =	sdelay $0x3  }
0x94: {  	_ =	strace s3  }
0x95: {  	s3 =	sld [smem:$0x3FFD];
	_ =	sdelay $0x3  }
0x96: {  	_ =	strace s3  }
0x97: {  	_ =	strace $0x8FFFFFFF  }
0x98: {  	s19 =	sld [smem:$0x3FDB];
	_ =	sdelay $0x1  }
0x99: {  	s4 =	simm.s32 $_scs_section_size  }
0x9a: {  	s5 =	simm.s32 $_size__tile_overlayer_lowered;
	s6 =	simm.s32 $_tile_overlayer_lowered  }
0x9b: {  	s22 =	simm.s32 $0x1BFF;
	s21 =	sshll.u32 s6, $0x1;
	s3 =	sadd.s32 s4, s19  }
0x9c: {  	s7 =	simm.s32 $0x0;
	s20 =	sshll.u32 s5, $0x1;
	s5 =	sadd.s32 s21, s3  }
0x9d: {  	[timem:s7], [sflag:s22] =	dma.local [hbm:s5], s20  }
0x9e: {  	_ =	swait.ge [sflag:s22], s20  }
0x9f: {  	s4 =	ssub.s32 $0x0, s20;
	[sflag:s22] =	ssyncset.done $0x0  }
0xa0: {  	[sflag:s22] =	ssyncadd.s32 s4;
	_ =	sdelay $0x1  }
0xa1: {  	s23 =	simm.s32 $0x1B8B  }
0xa2: {  	_ =	swait.ge [sflag:s23], $0x1  }
0xa3: {  	[sflag:s23] =	ssyncset.done $0x0  }
0xa4: {  	s25 =	simm.s32 $0x1B8E;
	s24 =	sld [smem:$0x3FFE];
	[sflag:s23] =	ssyncadd.s32 $0xFFFFFFFF  }
0xa5: {  	s26 =	simm.s32 $execute0_lowered;
	[smem:$0x3FD2] =	sst s25  }
0xa6: {  	s5 =	sshll.u32 s26, $0x1;
	_ =	strace $0x80000046;
	[dreg:$0x1] =	wrdreg $0xFFFFFFFF  }
0xa7: {  	s28 =	simm.s32 $_size_execute0_lowered;
	s3 =	sadd.s32 s3, s5;
	[dreg:$0x0] =	wrdreg $0x0  }
0xa8: {  	s5 =	sshll.u32 s28, $0x1;
	[dreg:$0x2] =	wrdreg s3  }
0xa9: {  	[dreg:$0x3] =	wrdreg s5  }
0xaa: {  	[dreg:$0x4] =	wrdreg $0xC0  }
0xab: {  	_ =	task [dreg:s7], $0x5FFFF  }
0xac: {  	[dreg:$0x1] =	wrdreg $0xFFFFFFFF  }
0xad: {  	[dreg:$0x0] =	wrdreg $0x60  }
0xae: {  	[dreg:$0x2] =	wrdreg s2  }
0xaf: {  	[dreg:$0x3] =	wrdreg s24  }
0xb0: {  	[dreg:$0x4] =	wrdreg $0x9  }
0xb1: {  	_ =	task.clear_ibuf [dreg:s7], $0x5FFFF;
	_ =	strace $0x90000046  }
0xb2: {  	s29 =	simm.s32 $0x9;
	_ =	strace $0x80000048  }
0xb3: {  	_ =	swait.ge [sflag:s29], $0x1  }
0xb4: {  	[sflag:s29] =	ssyncadd.s32 $0xFFFFFFFF  }
0xb5: {  	_ =	strace $0x90000048  }
0xb6: {  	_ =	sfence  }
0xb7: {  	s30 =	sld [smem:$0x0];
	_ =	sdelay $0x2  }
0xb8: {  	s31 =	sshll.u32 s1, $0xD;
	s1 =	sshrl.u32 s1, $0x2  }
0xb9: {  	s3 =	sand.u32 $0x4000, s31;
	s1 =	sadd.s32 s1, s30  }
0xba: {  	s0 =	sor.u32 s3, s0;
	s1 =	sshll.u32 s1, $0x11  }
0xbb: {  	s0 =	sor.u32 s1, s0  }
0xbc: {  	s0 =	sadd.s32 $0x8F2B, s0  }
0xbd: {  	[sflag:s0] =	ssyncadd.remote.s32 $0x1  }
0xbe: {  	_ =	sfence.sel $0xFFFF  }
0xbf: {  	[dreg:$0x0] =	wrdreg $0xFFFFFFFF;
	(pc) =	sbr.abs _section_cstart, $3  }
0xc0: {  	[dreg:$0x1] =	wrdreg $0xFFFFFFFF  }
0xc1: {  	_ =	task.clear_ibuf [dreg:s7], $0x2FFFF;
	_ =	strace $0x9FFFFFFF  }
0xc2: {  	(tm) =	ssettm $0x7FFFFFFF  }
0xc3: {  	_ =	shalt  }
tec
execute0_lowered:
.L_overlay_start_1:
0x0: {  	(tag) =	ssettag $0x1  }
0x1: {  	s1 =	srdreg.scid;
	s0 =	stileid.u32  }
0x2: {  	s1 =	sand.u32 $0x1, s1;
	s5 =	sshll.u32 s0, $0x1  }
0x3: {  	s2 =	rddreg [dreg:$0x0];
	s5 =	sor.u32 s1, s5  }
0x4: {  	s4 =	rddreg [dreg:$0x1];
	s3 =	simm.s32 $0x0;
	s30 =	smul.u32 $0x1400, s5  }
0x5: {  	[smem:$0x7FF] =	sst s3;
	s29 =	sadd.s32 $0x800, s4;
	s6 =	smul.u32 $0x280, s5  }
0x6: {  	s31 =	sadd.s32 $0x5800, s4;
	[dreg:$0x16] =	wrdreg s1;
	s5 =	smul.u32 $0x14000, s5  }
0x7: {  	_ =	strace $0x80000047;
	s23 =	sor.u32 $0x100, s30;
	s6 =	sadd.s32 s29, s6  }
0x8: {  	s25 =	sor.u32 $0x200, s30;
	s5 =	sadd.s32 s31, s5;
	s1 =	sor.u32 $0x300, s30  }
0x9: {  	s9 =	sadd.s32 $0x400, s30;
	s14 =	sadd.s32 $0x500, s30;
	s17 =	sadd.s32 $0x600, s30  }
0xa: {  	s22 =	sadd.s32 $0x700, s30;
	s7 =	sshrl.u32 s23, $0x3;
	[dreg:$0x3] =	wrdreg s6  }
0xb: {  	s26 =	sshrl.u32 s25, $0x3;
	[dreg:$0x5] =	wrdreg s5;
	s8 =	sshll.u32 s25, $0x4  }
0xc: {  	s24 =	sadd.s32 s29, s7;
	s10 =	sadd.s32 s31, s8;
	s8 =	rddreg [dreg:$0x3]  }
0xd: {  	s4 =	sshll.u32 s23, $0x4;
	s0 =	sadd.s32 s29, s26;
	[dreg:$0x4] =	wrdreg s24  }
0xe: {  	s6 =	sshrl.u32 s1, $0x3;
	s4 =	sadd.s32 s31, s4;
	[dreg:$0x6] =	wrdreg s0  }
0xf: {  	s11 =	sshrl.u32 s9, $0x3;
	s5 =	sshll.u32 s1, $0x4;
	[dreg:$0x7] =	wrdreg s4  }
0x10: {  	s15 =	sshrl.u32 s14, $0x3;
	s12 =	sadd.s32 s29, s11;
	[dreg:$0x9] =	wrdreg s10  }
0x11: {  	s16 =	sshll.u32 s9, $0x4;
	s13 =	sadd.s32 s31, s5;
	[dreg:$0xa] =	wrdreg s12  }
0x12: {  	s19 =	sshrl.u32 s17, $0x3;
	s18 =	sadd.s32 s31, s16;
	[dreg:$0xb] =	wrdreg s13  }
0x13: {  	s25 =	sadd.s32 $0x800, s30;
	s20 =	sadd.s32 s29, s19;
	[dreg:$0xd] =	wrdreg s18  }
0x14: {  	s5 =	sshll.u32 s14, $0x4;
	s4 =	sadd.s32 s29, s6;
	[dreg:$0xe] =	wrdreg s20  }
0x15: {  	[tilespmem:s3], [sflag:$0x3] =	stream.linear.gather [hbm4b:s8+s3], $0x100, $0x38;
	[tilespmem:$0x10200] =	vst v63  }
0x16: {  	s7 =	sshll.u32 s25, $0x4;
	s21 =	sadd.s32 s31, s5;
	[dreg:$0x8] =	wrdreg s4  }
0x17: {  	s23 =	sshrl.u32 s22, $0x3;
	s9 =	sadd.s32 s31, s7;
	[dreg:$0xf] =	wrdreg s21  }
0x18: {  	s24 =	sshll.u32 s17, $0x4;
	s4 =	sadd.s32 s29, s15;
	[dreg:$0x15] =	wrdreg s9  }
0x19: {  	s0 =	sshrl.u32 s25, $0x3;
	s26 =	sadd.s32 s31, s24;
	[dreg:$0xc] =	wrdreg s4  }
0x1a: {  	s5 =	sshll.u32 s22, $0x4;
	s1 =	sadd.s32 s29, s0;
	[dreg:$0x11] =	wrdreg s26  }
0x1b: {  	s11 =	sadd.s32 $0x900, s30;
	s5 =	sadd.s32 s31, s5;
	[dreg:$0x12] =	wrdreg s1  }
0x1c: {  	s6 =	sshrl.u32 s11, $0x3;
	s4 =	sadd.s32 s29, s23;
	[dreg:$0x13] =	wrdreg s5  }
0x1d: {  	[dreg:$0x10] =	wrdreg s4;
	s4 =	sadd.s32 s29, s6  }
0x1e: {  	[dreg:$0x14] =	wrdreg s4;
	s4 =	simm.s32 $0x3  }
0x1f: {  	_ =	swait.ge [sflag:s4], $0x100  }
0x20: {  	[sflag:s4] =	ssyncset.done $0x0  }
0x21: {  	s5 =	simm.s32 $0x100;
	s6 =	simm.s32 $0x200;
	[sflag:s4] =	ssyncadd.s32 $0xFFFFFF00  }
0x22: {  	[tilespmem:s6], [sflag:$0x1] =	stream.indirect.gather [hbm4b:s2+s5], $0x80, s3, s5, $0xb8;
	[tilespmem:$0x10200] =	vst v63  }
0x23: {  	s10 =	rddreg [dreg:$0x4]  }
0x24: {  	[tilespmem:s5], [sflag:$0x3] =	stream.linear.gather [hbm4b:s10+s3], $0x100, $0x38;
	[tilespmem:$0x10200] =	vst v63  }
0x25: {  	_ =	swait.ge [sflag:s4], $0x100  }
0x26: {  	[sflag:s4] =	ssyncset.done $0x0  }
0x27: {  	s7 =	simm.s32 $0x8200;
	s8 =	simm.s32 $0x1;
	[sflag:s4] =	ssyncadd.s32 $0xFFFFFF00  }
0x28: {  	[tilespmem:s7], [sflag:$0x2] =	stream.indirect.gather [hbm4b:s2+s5], $0x80, s5, s5, $0xb8;
	[tilespmem:$0x10200] =	vst v63  }
0x29: {  	_ =	swait.ge [sflag:s8], $0x8000  }
0x2a: {  	[sflag:s8] =	ssyncset.done $0x0  }
0x2b: {  	s9 =	rddreg [dreg:$0x5];
	[sflag:s8] =	ssyncadd.s32 $0xFFFF8000  }
0x2c: {  	[hbm4b:s9+s3] =	stream.linear.scatter [tilespmem:s6], [sflag:$0x3], $0x8000, $0x38;
	[tilespmem:$0x10200] =	vst v63  }
0x2d: {  	_ =	swait.ge [sflag:s4], $0x8000  }
0x2e: {  	[sflag:s4] =	ssyncset.done $0x0  }
0x2f: {  	s12 =	rddreg [dreg:$0x6];
	[sflag:s4] =	ssyncadd.s32 $0xFFFF8000  }
0x30: {  	[tilespmem:s3], [sflag:$0x3] =	stream.linear.gather [hbm4b:s12+s3], $0x100, $0x38;
	[tilespmem:$0x10200] =	vst v63  }
0x31: {  	_ =	swait.ge [sflag:s4], $0x100  }
0x32: {  	[sflag:s4] =	ssyncset.done $0x0  }
0x33: {  	s9 =	simm.s32 $0x2;
	[sflag:s4] =	ssyncadd.s32 $0xFFFFFF00  }
0x34: {  	[tilespmem:s6], [sflag:$0x1] =	stream.indirect.gather [hbm4b:s2+s5], $0x80, s3, s5, $0xb8;
	[tilespmem:$0x10200] =	vst v63  }
0x35: {  	_ =	swait.ge [sflag:s9], $0x8000  }
0x36: {  	[sflag:s9] =	ssyncset.done $0x0  }
0x37: {  	s10 =	rddreg [dreg:$0x7];
	[sflag:s9] =	ssyncadd.s32 $0xFFFF8000  }
0x38: {  	[hbm4b:s10+s3] =	stream.linear.scatter [tilespmem:s7], [sflag:$0x3], $0x8000, $0x38;
	[tilespmem:$0x10200] =	vst v63  }
0x39: {  	_ =	swait.ge [sflag:s4], $0x8000  }
0x3a: {  	[sflag:s4] =	ssyncset.done $0x0  }
0x3b: {  	s13 =	rddreg [dreg:$0x8];
	[sflag:s4] =	ssyncadd.s32 $0xFFFF8000  }
0x3c: {  	[tilespmem:s5], [sflag:$0x3] =	stream.linear.gather [hbm4b:s13+s3], $0x100, $0x38;
	[tilespmem:$0x10200] =	vst v63  }
0x3d: {  	_ =	swait.ge [sflag:s4], $0x100  }
0x3e: {  	[sflag:s4] =	ssyncset.done $0x0  }
0x3f: {  	[sflag:s4] =	ssyncadd.s32 $0xFFFFFF00  }
0x40: {  	[tilespmem:s7], [sflag:$0x2] =	stream.indirect.gather [hbm4b:s2+s5], $0x80, s5, s5, $0xb8;
	[tilespmem:$0x10200] =	vst v63  }
0x41: {  	_ =	swait.ge [sflag:s8], $0x8000  }
0x42: {  	[sflag:s8] =	ssyncset.done $0x0  }
0x43: {  	s14 =	rddreg [dreg:$0x9];
	[sflag:s8] =	ssyncadd.s32 $0xFFFF8000  }
0x44: {  	[hbm4b:s14+s3] =	stream.linear.scatter [tilespmem:s6], [sflag:$0x3], $0x8000, $0x38;
	[tilespmem:$0x10200] =	vst v63  }
0x45: {  	_ =	swait.ge [sflag:s4], $0x8000  }
0x46: {  	[sflag:s4] =	ssyncset.done $0x0  }
0x47: {  	s15 =	rddreg [dreg:$0xa];
	[sflag:s4] =	ssyncadd.s32 $0xFFFF8000  }
0x48: {  	[tilespmem:s3], [sflag:$0x3] =	stream.linear.gather [hbm4b:s15+s3], $0x100, $0x38;
	[tilespmem:$0x10200] =	vst v63  }
0x49: {  	_ =	swait.ge [sflag:s4], $0x100  }
0x4a: {  	[sflag:s4] =	ssyncset.done $0x0  }
0x4b: {  	[sflag:s4] =	ssyncadd.s32 $0xFFFFFF00  }
0x4c: {  	[tilespmem:s6], [sflag:$0x1] =	stream.indirect.gather [hbm4b:s2+s5], $0x80, s3, s5, $0xb8;
	[tilespmem:$0x10200] =	vst v63  }
0x4d: {  	_ =	swait.ge [sflag:s9], $0x8000  }
0x4e: {  	[sflag:s9] =	ssyncset.done $0x0  }
0x4f: {  	s16 =	rddreg [dreg:$0xb];
	[sflag:s9] =	ssyncadd.s32 $0xFFFF8000  }
0x50: {  	[hbm4b:s16+s3] =	stream.linear.scatter [tilespmem:s7], [sflag:$0x3], $0x8000, $0x38;
	[tilespmem:$0x10200] =	vst v63  }
0x51: {  	_ =	swait.ge [sflag:s4], $0x8000  }
0x52: {  	[sflag:s4] =	ssyncset.done $0x0  }
0x53: {  	s17 =	rddreg [dreg:$0xc];
	[sflag:s4] =	ssyncadd.s32 $0xFFFF8000  }
0x54: {  	[tilespmem:s5], [sflag:$0x3] =	stream.linear.gather [hbm4b:s17+s3], $0x100, $0x38;
	[tilespmem:$0x10200] =	vst v63  }
0x55: {  	_ =	swait.ge [sflag:s4], $0x100  }
0x56: {  	[sflag:s4] =	ssyncset.done $0x0  }
0x57: {  	[sflag:s4] =	ssyncadd.s32 $0xFFFFFF00  }
0x58: {  	[tilespmem:s7], [sflag:$0x2] =	stream.indirect.gather [hbm4b:s2+s5], $0x80, s5, s5, $0xb8;
	[tilespmem:$0x10200] =	vst v63  }
0x59: {  	_ =	swait.ge [sflag:s8], $0x8000  }
0x5a: {  	[sflag:s8] =	ssyncset.done $0x0  }
0x5b: {  	s18 =	rddreg [dreg:$0xd];
	[sflag:s8] =	ssyncadd.s32 $0xFFFF8000  }
0x5c: {  	[hbm4b:s18+s3] =	stream.linear.scatter [tilespmem:s6], [sflag:$0x3], $0x8000, $0x38;
	[tilespmem:$0x10200] =	vst v63  }
0x5d: {  	_ =	swait.ge [sflag:s4], $0x8000  }
0x5e: {  	[sflag:s4] =	ssyncset.done $0x0  }
0x5f: {  	s19 =	rddreg [dreg:$0xe];
	[sflag:s4] =	ssyncadd.s32 $0xFFFF8000  }
0x60: {  	[tilespmem:s3], [sflag:$0x3] =	stream.linear.gather [hbm4b:s19+s3], $0x100, $0x38;
	[tilespmem:$0x10200] =	vst v63  }
0x61: {  	_ =	swait.ge [sflag:s4], $0x100  }
0x62: {  	[sflag:s4] =	ssyncset.done $0x0  }
0x63: {  	[sflag:s4] =	ssyncadd.s32 $0xFFFFFF00  }
0x64: {  	[tilespmem:s6], [sflag:$0x1] =	stream.indirect.gather [hbm4b:s2+s5], $0x80, s3, s5, $0xb8;
	[tilespmem:$0x10200] =	vst v63  }
0x65: {  	_ =	swait.ge [sflag:s9], $0x8000  }
0x66: {  	[sflag:s9] =	ssyncset.done $0x0  }
0x67: {  	s20 =	rddreg [dreg:$0xf];
	[sflag:s9] =	ssyncadd.s32 $0xFFFF8000  }
0x68: {  	[hbm4b:s20+s3] =	stream.linear.scatter [tilespmem:s7], [sflag:$0x3], $0x8000, $0x38;
	[tilespmem:$0x10200] =	vst v63  }
0x69: {  	_ =	swait.ge [sflag:s4], $0x8000  }
0x6a: {  	[sflag:s4] =	ssyncset.done $0x0  }
0x6b: {  	s21 =	rddreg [dreg:$0x10];
	[sflag:s4] =	ssyncadd.s32 $0xFFFF8000  }
0x6c: {  	[tilespmem:s5], [sflag:$0x3] =	stream.linear.gather [hbm4b:s21+s3], $0x100, $0x38;
	[tilespmem:$0x10200] =	vst v63  }
0x6d: {  	_ =	swait.ge [sflag:s4], $0x100  }
0x6e: {  	[sflag:s4] =	ssyncset.done $0x0  }
0x6f: {  	[sflag:s4] =	ssyncadd.s32 $0xFFFFFF00  }
0x70: {  	[tilespmem:s7], [sflag:$0x2] =	stream.indirect.gather [hbm4b:s2+s5], $0x80, s5, s5, $0xb8;
	[tilespmem:$0x10200] =	vst v63  }
0x71: {  	_ =	swait.ge [sflag:s8], $0x8000  }
0x72: {  	[sflag:s8] =	ssyncset.done $0x0  }
0x73: {  	s22 =	rddreg [dreg:$0x11];
	[sflag:s8] =	ssyncadd.s32 $0xFFFF8000  }
0x74: {  	[hbm4b:s22+s3] =	stream.linear.scatter [tilespmem:s6], [sflag:$0x3], $0x8000, $0x38;
	[tilespmem:$0x10200] =	vst v63  }
0x75: {  	_ =	swait.ge [sflag:s4], $0x8000  }
0x76: {  	[sflag:s4] =	ssyncset.done $0x0  }
0x77: {  	s23 =	rddreg [dreg:$0x12];
	[sflag:s4] =	ssyncadd.s32 $0xFFFF8000  }
0x78: {  	[tilespmem:s3], [sflag:$0x3] =	stream.linear.gather [hbm4b:s23+s3], $0x100, $0x38;
	[tilespmem:$0x10200] =	vst v63  }
0x79: {  	_ =	swait.ge [sflag:s4], $0x100  }
0x7a: {  	[sflag:s4] =	ssyncset.done $0x0  }
0x7b: {  	[sflag:s4] =	ssyncadd.s32 $0xFFFFFF00  }
0x7c: {  	[tilespmem:s6], [sflag:$0x1] =	stream.indirect.gather [hbm4b:s2+s5], $0x80, s3, s5, $0xb8;
	[tilespmem:$0x10200] =	vst v63  }
0x7d: {  	_ =	swait.ge [sflag:s9], $0x8000  }
0x7e: {  	[sflag:s9] =	ssyncset.done $0x0  }
0x7f: {  	s24 =	rddreg [dreg:$0x13];
	[sflag:s9] =	ssyncadd.s32 $0xFFFF8000  }
0x80: {  	[hbm4b:s24+s3] =	stream.linear.scatter [tilespmem:s7], [sflag:$0x3], $0x8000, $0x38;
	[tilespmem:$0x10200] =	vst v63  }
0x81: {  	_ =	swait.ge [sflag:s4], $0x8000  }
0x82: {  	[sflag:s4] =	ssyncset.done $0x0  }
0x83: {  	s25 =	rddreg [dreg:$0x14];
	[sflag:s4] =	ssyncadd.s32 $0xFFFF8000  }
0x84: {  	[tilespmem:s5], [sflag:$0x3] =	stream.linear.gather [hbm4b:s25+s3], $0x100, $0x38;
	[tilespmem:$0x10200] =	vst v63  }
0x85: {  	_ =	swait.ge [sflag:s4], $0x100  }
0x86: {  	[sflag:s4] =	ssyncset.done $0x0  }
0x87: {  	[sflag:s4] =	ssyncadd.s32 $0xFFFFFF00  }
0x88: {  	[tilespmem:s7], [sflag:$0x2] =	stream.indirect.gather [hbm4b:s2+s5], $0x80, s5, s5, $0xb8;
	[tilespmem:$0x10200] =	vst v63  }
0x89: {  	_ =	swait.ge [sflag:s8], $0x8000  }
0x8a: {  	[sflag:s8] =	ssyncset.done $0x0  }
0x8b: {  	s26 =	rddreg [dreg:$0x15];
	[sflag:s8] =	ssyncadd.s32 $0xFFFF8000  }
0x8c: {  	[hbm4b:s26+s3] =	stream.linear.scatter [tilespmem:s6], [sflag:$0x3], $0x8000, $0x38;
	[tilespmem:$0x10200] =	vst v63  }
0x8d: {  	s13 =	sadd.s32 $0xA00, s30;
	_ =	swait.ge [sflag:s4], $0x8000  }
0x8e: {  	s0 =	sshrl.u32 s13, $0x3;
	[sflag:s4] =	ssyncset.done $0x0  }
0x8f: {  	s10 =	sadd.s32 s29, s0;
	[sflag:s4] =	ssyncadd.s32 $0xFFFF8000  }
0x90: {  	[tilespmem:s3], [sflag:$0x3] =	stream.linear.gather [hbm4b:s10+s3], $0x100, $0x38;
	[tilespmem:$0x10200] =	vst v63  }
0x91: {  	_ =	swait.ge [sflag:s4], $0x100  }
0x92: {  	[sflag:s4] =	ssyncset.done $0x0  }
0x93: {  	[sflag:s4] =	ssyncadd.s32 $0xFFFFFF00  }
0x94: {  	[tilespmem:s6], [sflag:$0x1] =	stream.indirect.gather [hbm4b:s2+s5], $0x80, s3, s5, $0xb8;
	[tilespmem:$0x10200] =	vst v63  }
0x95: {  	_ =	swait.ge [sflag:s9], $0x8000  }
0x96: {  	s11 =	sshll.u32 s11, $0x4;
	[sflag:s9] =	ssyncset.done $0x0  }
0x97: {  	s11 =	sadd.s32 s31, s11;
	[sflag:s9] =	ssyncadd.s32 $0xFFFF8000  }
0x98: {  	[hbm4b:s11+s3] =	stream.linear.scatter [tilespmem:s7], [sflag:$0x3], $0x8000, $0x38;
	[tilespmem:$0x10200] =	vst v63  }
0x99: {  	s15 =	sadd.s32 $0xB00, s30;
	_ =	swait.ge [sflag:s4], $0x8000  }
0x9a: {  	s12 =	sshrl.u32 s15, $0x3;
	[sflag:s4] =	ssyncset.done $0x0  }
0x9b: {  	s12 =	sadd.s32 s29, s12;
	[sflag:s4] =	ssyncadd.s32 $0xFFFF8000  }
0x9c: {  	[tilespmem:s5], [sflag:$0x3] =	stream.linear.gather [hbm4b:s12+s3], $0x100, $0x38;
	[tilespmem:$0x10200] =	vst v63  }
0x9d: {  	_ =	swait.ge [sflag:s4], $0x100  }
0x9e: {  	[sflag:s4] =	ssyncset.done $0x0  }
0x9f: {  	[sflag:s4] =	ssyncadd.s32 $0xFFFFFF00  }
0xa0: {  	[tilespmem:s7], [sflag:$0x2] =	stream.indirect.gather [hbm4b:s2+s5], $0x80, s5, s5, $0xb8;
	[tilespmem:$0x10200] =	vst v63  }
0xa1: {  	_ =	swait.ge [sflag:s8], $0x8000  }
0xa2: {  	s13 =	sshll.u32 s13, $0x4;
	[sflag:s8] =	ssyncset.done $0x0  }
0xa3: {  	s13 =	sadd.s32 s31, s13;
	[sflag:s8] =	ssyncadd.s32 $0xFFFF8000  }
0xa4: {  	[hbm4b:s13+s3] =	stream.linear.scatter [tilespmem:s6], [sflag:$0x3], $0x8000, $0x38;
	[tilespmem:$0x10200] =	vst v63  }
0xa5: {  	s17 =	sadd.s32 $0xC00, s30;
	_ =	swait.ge [sflag:s4], $0x8000  }
0xa6: {  	s14 =	sshrl.u32 s17, $0x3;
	[sflag:s4] =	ssyncset.done $0x0  }
0xa7: {  	s14 =	sadd.s32 s29, s14;
	[sflag:s4] =	ssyncadd.s32 $0xFFFF8000  }
0xa8: {  	[tilespmem:s3], [sflag:$0x3] =	stream.linear.gather [hbm4b:s14+s3], $0x100, $0x38;
	[tilespmem:$0x10200] =	vst v63  }
0xa9: {  	_ =	swait.ge [sflag:s4], $0x100  }
0xaa: {  	[sflag:s4] =	ssyncset.done $0x0  }
0xab: {  	[sflag:s4] =	ssyncadd.s32 $0xFFFFFF00  }
0xac: {  	[tilespmem:s6], [sflag:$0x1] =	stream.indirect.gather [hbm4b:s2+s5], $0x80, s3, s5, $0xb8;
	[tilespmem:$0x10200] =	vst v63  }
0xad: {  	_ =	swait.ge [sflag:s9], $0x8000  }
0xae: {  	s15 =	sshll.u32 s15, $0x4;
	[sflag:s9] =	ssyncset.done $0x0  }
0xaf: {  	s15 =	sadd.s32 s31, s15;
	[sflag:s9] =	ssyncadd.s32 $0xFFFF8000  }
0xb0: {  	[hbm4b:s15+s3] =	stream.linear.scatter [tilespmem:s7], [sflag:$0x3], $0x8000, $0x38;
	[tilespmem:$0x10200] =	vst v63  }
0xb1: {  	s19 =	sadd.s32 $0xD00, s30;
	_ =	swait.ge [sflag:s4], $0x8000  }
0xb2: {  	s16 =	sshrl.u32 s19, $0x3;
	[sflag:s4] =	ssyncset.done $0x0  }
0xb3: {  	s16 =	sadd.s32 s29, s16;
	[sflag:s4] =	ssyncadd.s32 $0xFFFF8000  }
0xb4: {  	[tilespmem:s5], [sflag:$0x3] =	stream.linear.gather [hbm4b:s16+s3], $0x100, $0x38;
	[tilespmem:$0x10200] =	vst v63  }
0xb5: {  	_ =	swait.ge [sflag:s4], $0x100  }
0xb6: {  	[sflag:s4] =	ssyncset.done $0x0  }
0xb7: {  	[sflag:s4] =	ssyncadd.s32 $0xFFFFFF00  }
0xb8: {  	[tilespmem:s7], [sflag:$0x2] =	stream.indirect.gather [hbm4b:s2+s5], $0x80, s5, s5, $0xb8;
	[tilespmem:$0x10200] =	vst v63  }
0xb9: {  	_ =	swait.ge [sflag:s8], $0x8000  }
0xba: {  	s17 =	sshll.u32 s17, $0x4;
	[sflag:s8] =	ssyncset.done $0x0  }
0xbb: {  	s17 =	sadd.s32 s31, s17;
	[sflag:s8] =	ssyncadd.s32 $0xFFFF8000  }
0xbc: {  	[hbm4b:s17+s3] =	stream.linear.scatter [tilespmem:s6], [sflag:$0x3], $0x8000, $0x38;
	[tilespmem:$0x10200] =	vst v63  }
0xbd: {  	s21 =	sadd.s32 $0xE00, s30;
	_ =	swait.ge [sflag:s4], $0x8000  }
0xbe: {  	s18 =	sshrl.u32 s21, $0x3;
	[sflag:s4] =	ssyncset.done $0x0  }
0xbf: {  	s18 =	sadd.s32 s29, s18;
	[sflag:s4] =	ssyncadd.s32 $0xFFFF8000  }
0xc0: {  	[tilespmem:s3], [sflag:$0x3] =	stream.linear.gather [hbm4b:s18+s3], $0x100, $0x38;
	[tilespmem:$0x10200] =	vst v63  }
0xc1: {  	_ =	swait.ge [sflag:s4], $0x100  }
0xc2: {  	[sflag:s4] =	ssyncset.done $0x0  }
0xc3: {  	[sflag:s4] =	ssyncadd.s32 $0xFFFFFF00  }
0xc4: {  	[tilespmem:s6], [sflag:$0x1] =	stream.indirect.gather [hbm4b:s2+s5], $0x80, s3, s5, $0xb8;
	[tilespmem:$0x10200] =	vst v63  }
0xc5: {  	_ =	swait.ge [sflag:s9], $0x8000  }
0xc6: {  	s19 =	sshll.u32 s19, $0x4;
	[sflag:s9] =	ssyncset.done $0x0  }
0xc7: {  	s19 =	sadd.s32 s31, s19;
	[sflag:s9] =	ssyncadd.s32 $0xFFFF8000  }
0xc8: {  	[hbm4b:s19+s3] =	stream.linear.scatter [tilespmem:s7], [sflag:$0x3], $0x8000, $0x38;
	[tilespmem:$0x10200] =	vst v63  }
0xc9: {  	s23 =	sadd.s32 $0xF00, s30;
	_ =	swait.ge [sflag:s4], $0x8000  }
0xca: {  	s20 =	sshrl.u32 s23, $0x3;
	[sflag:s4] =	ssyncset.done $0x0  }
0xcb: {  	s20 =	sadd.s32 s29, s20;
	[sflag:s4] =	ssyncadd.s32 $0xFFFF8000  }
0xcc: {  	[tilespmem:s5], [sflag:$0x3] =	stream.linear.gather [hbm4b:s20+s3], $0x100, $0x38;
	[tilespmem:$0x10200] =	vst v63  }
0xcd: {  	_ =	swait.ge [sflag:s4], $0x100  }
0xce: {  	[sflag:s4] =	ssyncset.done $0x0  }
0xcf: {  	[sflag:s4] =	ssyncadd.s32 $0xFFFFFF00  }
0xd0: {  	[tilespmem:s7], [sflag:$0x2] =	stream.indirect.gather [hbm4b:s2+s5], $0x80, s5, s5, $0xb8;
	[tilespmem:$0x10200] =	vst v63  }
0xd1: {  	_ =	swait.ge [sflag:s8], $0x8000  }
0xd2: {  	s21 =	sshll.u32 s21, $0x4;
	[sflag:s8] =	ssyncset.done $0x0  }
0xd3: {  	s21 =	sadd.s32 s31, s21;
	[sflag:s8] =	ssyncadd.s32 $0xFFFF8000  }
0xd4: {  	[hbm4b:s21+s3] =	stream.linear.scatter [tilespmem:s6], [sflag:$0x3], $0x8000, $0x38;
	[tilespmem:$0x10200] =	vst v63  }
0xd5: {  	s25 =	sadd.s32 $0x1000, s30;
	_ =	swait.ge [sflag:s4], $0x8000  }
0xd6: {  	s22 =	sshrl.u32 s25, $0x3;
	[sflag:s4] =	ssyncset.done $0x0  }
0xd7: {  	s22 =	sadd.s32 s29, s22;
	[sflag:s4] =	ssyncadd.s32 $0xFFFF8000  }
0xd8: {  	[tilespmem:s3], [sflag:$0x3] =	stream.linear.gather [hbm4b:s22+s3], $0x100, $0x38;
	[tilespmem:$0x10200] =	vst v63  }
0xd9: {  	_ =	swait.ge [sflag:s4], $0x100  }
0xda: {  	[sflag:s4] =	ssyncset.done $0x0  }
0xdb: {  	[sflag:s4] =	ssyncadd.s32 $0xFFFFFF00  }
0xdc: {  	[tilespmem:s6], [sflag:$0x1] =	stream.indirect.gather [hbm4b:s2+s5], $0x80, s3, s5, $0xb8;
	[tilespmem:$0x10200] =	vst v63  }
0xdd: {  	_ =	swait.ge [sflag:s9], $0x8000  }
0xde: {  	s23 =	sshll.u32 s23, $0x4;
	[sflag:s9] =	ssyncset.done $0x0  }
0xdf: {  	s23 =	sadd.s32 s31, s23;
	[sflag:s9] =	ssyncadd.s32 $0xFFFF8000  }
0xe0: {  	[hbm4b:s23+s3] =	stream.linear.scatter [tilespmem:s7], [sflag:$0x3], $0x8000, $0x38;
	[tilespmem:$0x10200] =	vst v63  }
0xe1: {  	s28 =	sadd.s32 $0x1100, s30;
	_ =	swait.ge [sflag:s4], $0x8000  }
0xe2: {  	s24 =	sshrl.u32 s28, $0x3;
	[sflag:s4] =	ssyncset.done $0x0  }
0xe3: {  	s24 =	sadd.s32 s29, s24;
	[sflag:s4] =	ssyncadd.s32 $0xFFFF8000  }
0xe4: {  	[tilespmem:s5], [sflag:$0x3] =	stream.linear.gather [hbm4b:s24+s3], $0x100, $0x38;
	[tilespmem:$0x10200] =	vst v63  }
0xe5: {  	_ =	swait.ge [sflag:s4], $0x100  }
0xe6: {  	[sflag:s4] =	ssyncset.done $0x0  }
0xe7: {  	[sflag:s4] =	ssyncadd.s32 $0xFFFFFF00  }
0xe8: {  	[tilespmem:s7], [sflag:$0x2] =	stream.indirect.gather [hbm4b:s2+s5], $0x80, s5, s5, $0xb8;
	[tilespmem:$0x10200] =	vst v63  }
0xe9: {  	_ =	swait.ge [sflag:s8], $0x8000  }
0xea: {  	s25 =	sshll.u32 s25, $0x4;
	[sflag:s8] =	ssyncset.done $0x0  }
0xeb: {  	s25 =	sadd.s32 s31, s25;
	[sflag:s8] =	ssyncadd.s32 $0xFFFF8000  }
0xec: {  	[hbm4b:s25+s3] =	stream.linear.scatter [tilespmem:s6], [sflag:$0x3], $0x8000, $0x38;
	[tilespmem:$0x10200] =	vst v63  }
0xed: {  	s1 =	sadd.s32 $0x1200, s30;
	_ =	swait.ge [sflag:s4], $0x8000  }
0xee: {  	s26 =	sshrl.u32 s1, $0x3;
	[sflag:s4] =	ssyncset.done $0x0  }
0xef: {  	s26 =	sadd.s32 s29, s26;
	[sflag:s4] =	ssyncadd.s32 $0xFFFF8000  }
0xf0: {  	[tilespmem:s3], [sflag:$0x3] =	stream.linear.gather [hbm4b:s26+s3], $0x100, $0x38;
	[tilespmem:$0x10200] =	vst v63  }
0xf1: {  	_ =	swait.ge [sflag:s4], $0x100  }
0xf2: {  	[sflag:s4] =	ssyncset.done $0x0  }
0xf3: {  	[sflag:s4] =	ssyncadd.s32 $0xFFFFFF00  }
0xf4: {  	[tilespmem:s6], [sflag:$0x1] =	stream.indirect.gather [hbm4b:s2+s5], $0x80, s3, s5, $0xb8;
	[tilespmem:$0x10200] =	vst v63  }
0xf5: {  	_ =	swait.ge [sflag:s9], $0x8000  }
0xf6: {  	s28 =	sshll.u32 s28, $0x4;
	[sflag:s9] =	ssyncset.done $0x0  }
0xf7: {  	s28 =	sadd.s32 s31, s28;
	[dreg:$0x17] =	wrdreg s31;
	[sflag:s9] =	ssyncadd.s32 $0xFFFF8000  }
0xf8: {  	[hbm4b:s28+s3] =	stream.linear.scatter [tilespmem:s7], [sflag:$0x3], $0x8000, $0x38;
	[tilespmem:$0x10200] =	vst v63  }
0xf9: {  	s0 =	sadd.s32 $0x1300, s30;
	_ =	swait.ge [sflag:s4], $0x8000  }
0xfa: {  	s30 =	sshrl.u32 s0, $0x3;
	[sflag:s4] =	ssyncset.done $0x0  }
0xfb: {  	s29 =	sadd.s32 s29, s30;
	[sflag:s4] =	ssyncadd.s32 $0xFFFF8000  }
0xfc: {  	[tilespmem:s5], [sflag:$0x3] =	stream.linear.gather [hbm4b:s29+s3], $0x100, $0x38;
	[tilespmem:$0x10200] =	vst v63  }
0xfd: {  	_ =	swait.ge [sflag:s4], $0x100  }
0xfe: {  	[sflag:s4] =	ssyncset.done $0x0  }
0xff: {  	[sflag:s4] =	ssyncadd.s32 $0xFFFFFF00  }
0x100: {  	[tilespmem:s7], [sflag:$0x2] =	stream.indirect.gather [hbm4b:s2+s5], $0x80, s5, s5, $0xb8;
	[tilespmem:$0x10200] =	vst v63  }
0x101: {  	_ =	swait.ge [sflag:s8], $0x8000  }
0x102: {  	s1 =	sshll.u32 s1, $0x4;
	[sflag:s8] =	ssyncset.done $0x0  }
0x103: {  	s30 =	sadd.s32 s31, s1;
	[sflag:s8] =	ssyncadd.s32 $0xFFFF8000  }
0x104: {  	[hbm4b:s30+s3] =	stream.linear.scatter [tilespmem:s6], [sflag:$0x3], $0x8000, $0x38;
	[tilespmem:$0x10200] =	vst v63  }
0x105: {  	_ =	swait.ge [sflag:s4], $0x8000  }
0x106: {  	s1 =	rddreg [dreg:$0x16]  }
0x107: {  	s1 =	ssub.s32 $0x2, s1  }
0x108: {  	s31 =	sshrl.u32 s1, $0x1  }
0x109: {  	s1 =	ssub.s32 s1, s31  }
0x10a: {  	[sflag:s4] =	ssyncset.done $0x0;
	s1 =	smax.u32 s1, $0x1  }
0x10b: {  	[sflag:s4] =	ssyncadd.s32 $0xFFFF8000;
	p0 =	sne.s32 s1, $0x1  }
.Ltmp0:
0x10c: {  	_ =	swait.ge [sflag:s9], $0x8000;
	(pc) =	sbr.rel @!p0 .LBB2_2-.Ltmp0, $4  }
0x10d: {  	s0 =	sshll.u32 s0, $0x4;
	[sflag:s9] =	ssyncset.done $0x0;
	s31 =	rddreg [dreg:$0x17]  }
0x10e: {  	s31 =	sadd.s32 s31, s0;
	[sflag:s9] =	ssyncadd.s32 $0xFFFF8000  }
0x10f: {  	[hbm4b:s31+s3] =	stream.linear.scatter [tilespmem:s7], [sflag:$0x3], $0x8000, $0x38;
	[tilespmem:$0x10200] =	vst v63  }
0x110: {  	s1 =	sadd.s32 $0xFFFFFFFF, s1;
	_ =	swait.ge [sflag:s4], $0x8000  }
.LBB2_1:
0x111: {  	[sflag:s4] =	ssyncset.done $0x0  }
0x112: {  	s0 =	rddreg [dreg:$0x3];
	[sflag:s4] =	ssyncadd.s32 $0xFFFF8000  }
0x113: {  	[tilespmem:s3], [sflag:$0x3] =	stream.linear.gather [hbm4b:s0+s3], $0x100, $0x38;
	[tilespmem:$0x10200] =	vst v63  }
0x114: {  	_ =	swait.ge [sflag:s4], $0x100  }
0x115: {  	[sflag:s4] =	ssyncset.done $0x0  }
0x116: {  	[sflag:s4] =	ssyncadd.s32 $0xFFFFFF00  }
0x117: {  	[tilespmem:s6], [sflag:$0x1] =	stream.indirect.gather [hbm4b:s2+s5], $0x80, s3, s5, $0xb8;
	[tilespmem:$0x10200] =	vst v63  }
0x118: {  	s0 =	rddreg [dreg:$0x4]  }
0x119: {  	[tilespmem:s5], [sflag:$0x3] =	stream.linear.gather [hbm4b:s0+s3], $0x100, $0x38;
	[tilespmem:$0x10200] =	vst v63  }
0x11a: {  	_ =	swait.ge [sflag:s4], $0x100  }
0x11b: {  	[sflag:s4] =	ssyncset.done $0x0  }
0x11c: {  	[sflag:s4] =	ssyncadd.s32 $0xFFFFFF00  }
0x11d: {  	[tilespmem:s7], [sflag:$0x2] =	stream.indirect.gather [hbm4b:s2+s5], $0x80, s5, s5, $0xb8;
	[tilespmem:$0x10200] =	vst v63  }
0x11e: {  	_ =	swait.ge [sflag:s8], $0x8000  }
0x11f: {  	[sflag:s8] =	ssyncset.done $0x0  }
0x120: {  	s0 =	rddreg [dreg:$0x5];
	[sflag:s8] =	ssyncadd.s32 $0xFFFF8000  }
0x121: {  	[hbm4b:s0+s3] =	stream.linear.scatter [tilespmem:s6], [sflag:$0x3], $0x8000, $0x38;
	[tilespmem:$0x10200] =	vst v63  }
0x122: {  	_ =	swait.ge [sflag:s4], $0x8000  }
0x123: {  	[sflag:s4] =	ssyncset.done $0x0  }
0x124: {  	s0 =	rddreg [dreg:$0x6];
	[sflag:s4] =	ssyncadd.s32 $0xFFFF8000  }
0x125: {  	[tilespmem:s3], [sflag:$0x3] =	stream.linear.gather [hbm4b:s0+s3], $0x100, $0x38;
	[tilespmem:$0x10200] =	vst v63  }
0x126: {  	_ =	swait.ge [sflag:s4], $0x100  }
0x127: {  	[sflag:s4] =	ssyncset.done $0x0  }
0x128: {  	[sflag:s4] =	ssyncadd.s32 $0xFFFFFF00  }
0x129: {  	[tilespmem:s6], [sflag:$0x1] =	stream.indirect.gather [hbm4b:s2+s5], $0x80, s3, s5, $0xb8;
	[tilespmem:$0x10200] =	vst v63  }
0x12a: {  	_ =	swait.ge [sflag:s9], $0x8000  }
0x12b: {  	[sflag:s9] =	ssyncset.done $0x0  }
0x12c: {  	s0 =	rddreg [dreg:$0x7];
	[sflag:s9] =	ssyncadd.s32 $0xFFFF8000  }
0x12d: {  	[hbm4b:s0+s3] =	stream.linear.scatter [tilespmem:s7], [sflag:$0x3], $0x8000, $0x38;
	[tilespmem:$0x10200] =	vst v63  }
0x12e: {  	_ =	swait.ge [sflag:s4], $0x8000  }
0x12f: {  	[sflag:s4] =	ssyncset.done $0x0  }
0x130: {  	s0 =	rddreg [dreg:$0x8];
	[sflag:s4] =	ssyncadd.s32 $0xFFFF8000  }
0x131: {  	[tilespmem:s5], [sflag:$0x3] =	stream.linear.gather [hbm4b:s0+s3], $0x100, $0x38;
	[tilespmem:$0x10200] =	vst v63  }
0x132: {  	_ =	swait.ge [sflag:s4], $0x100  }
0x133: {  	[sflag:s4] =	ssyncset.done $0x0  }
0x134: {  	[sflag:s4] =	ssyncadd.s32 $0xFFFFFF00  }
0x135: {  	[tilespmem:s7], [sflag:$0x2] =	stream.indirect.gather [hbm4b:s2+s5], $0x80, s5, s5, $0xb8;
	[tilespmem:$0x10200] =	vst v63  }
0x136: {  	_ =	swait.ge [sflag:s8], $0x8000  }
0x137: {  	[sflag:s8] =	ssyncset.done $0x0  }
0x138: {  	s0 =	rddreg [dreg:$0x9];
	[sflag:s8] =	ssyncadd.s32 $0xFFFF8000  }
0x139: {  	[hbm4b:s0+s3] =	stream.linear.scatter [tilespmem:s6], [sflag:$0x3], $0x8000, $0x38;
	[tilespmem:$0x10200] =	vst v63  }
0x13a: {  	_ =	swait.ge [sflag:s4], $0x8000  }
0x13b: {  	[sflag:s4] =	ssyncset.done $0x0  }
0x13c: {  	s0 =	rddreg [dreg:$0xa];
	[sflag:s4] =	ssyncadd.s32 $0xFFFF8000  }
0x13d: {  	[tilespmem:s3], [sflag:$0x3] =	stream.linear.gather [hbm4b:s0+s3], $0x100, $0x38;
	[tilespmem:$0x10200] =	vst v63  }
0x13e: {  	_ =	swait.ge [sflag:s4], $0x100  }
0x13f: {  	[sflag:s4] =	ssyncset.done $0x0  }
0x140: {  	[sflag:s4] =	ssyncadd.s32 $0xFFFFFF00  }
0x141: {  	[tilespmem:s6], [sflag:$0x1] =	stream.indirect.gather [hbm4b:s2+s5], $0x80, s3, s5, $0xb8;
	[tilespmem:$0x10200] =	vst v63  }
0x142: {  	_ =	swait.ge [sflag:s9], $0x8000  }
0x143: {  	[sflag:s9] =	ssyncset.done $0x0  }
0x144: {  	s0 =	rddreg [dreg:$0xb];
	[sflag:s9] =	ssyncadd.s32 $0xFFFF8000  }
0x145: {  	[hbm4b:s0+s3] =	stream.linear.scatter [tilespmem:s7], [sflag:$0x3], $0x8000, $0x38;
	[tilespmem:$0x10200] =	vst v63  }
0x146: {  	_ =	swait.ge [sflag:s4], $0x8000  }
0x147: {  	[sflag:s4] =	ssyncset.done $0x0  }
0x148: {  	s0 =	rddreg [dreg:$0xc];
	[sflag:s4] =	ssyncadd.s32 $0xFFFF8000  }
0x149: {  	[tilespmem:s5], [sflag:$0x3] =	stream.linear.gather [hbm4b:s0+s3], $0x100, $0x38;
	[tilespmem:$0x10200] =	vst v63  }
0x14a: {  	_ =	swait.ge [sflag:s4], $0x100  }
0x14b: {  	[sflag:s4] =	ssyncset.done $0x0  }
0x14c: {  	[sflag:s4] =	ssyncadd.s32 $0xFFFFFF00  }
0x14d: {  	[tilespmem:s7], [sflag:$0x2] =	stream.indirect.gather [hbm4b:s2+s5], $0x80, s5, s5, $0xb8;
	[tilespmem:$0x10200] =	vst v63  }
0x14e: {  	_ =	swait.ge [sflag:s8], $0x8000  }
0x14f: {  	[sflag:s8] =	ssyncset.done $0x0  }
0x150: {  	s0 =	rddreg [dreg:$0xd];
	[sflag:s8] =	ssyncadd.s32 $0xFFFF8000  }
0x151: {  	[hbm4b:s0+s3] =	stream.linear.scatter [tilespmem:s6], [sflag:$0x3], $0x8000, $0x38;
	[tilespmem:$0x10200] =	vst v63  }
0x152: {  	_ =	swait.ge [sflag:s4], $0x8000  }
0x153: {  	[sflag:s4] =	ssyncset.done $0x0  }
0x154: {  	s0 =	rddreg [dreg:$0xe];
	[sflag:s4] =	ssyncadd.s32 $0xFFFF8000  }
0x155: {  	[tilespmem:s3], [sflag:$0x3] =	stream.linear.gather [hbm4b:s0+s3], $0x100, $0x38;
	[tilespmem:$0x10200] =	vst v63  }
0x156: {  	_ =	swait.ge [sflag:s4], $0x100  }
0x157: {  	[sflag:s4] =	ssyncset.done $0x0  }
0x158: {  	[sflag:s4] =	ssyncadd.s32 $0xFFFFFF00  }
0x159: {  	[tilespmem:s6], [sflag:$0x1] =	stream.indirect.gather [hbm4b:s2+s5], $0x80, s3, s5, $0xb8;
	[tilespmem:$0x10200] =	vst v63  }
0x15a: {  	_ =	swait.ge [sflag:s9], $0x8000  }
0x15b: {  	[sflag:s9] =	ssyncset.done $0x0  }
0x15c: {  	s0 =	rddreg [dreg:$0xf];
	[sflag:s9] =	ssyncadd.s32 $0xFFFF8000  }
0x15d: {  	[hbm4b:s0+s3] =	stream.linear.scatter [tilespmem:s7], [sflag:$0x3], $0x8000, $0x38;
	[tilespmem:$0x10200] =	vst v63  }
0x15e: {  	_ =	swait.ge [sflag:s4], $0x8000  }
0x15f: {  	[sflag:s4] =	ssyncset.done $0x0  }
0x160: {  	s0 =	rddreg [dreg:$0x10];
	[sflag:s4] =	ssyncadd.s32 $0xFFFF8000  }
0x161: {  	[tilespmem:s5], [sflag:$0x3] =	stream.linear.gather [hbm4b:s0+s3], $0x100, $0x38;
	[tilespmem:$0x10200] =	vst v63  }
0x162: {  	_ =	swait.ge [sflag:s4], $0x100  }
0x163: {  	[sflag:s4] =	ssyncset.done $0x0  }
0x164: {  	[sflag:s4] =	ssyncadd.s32 $0xFFFFFF00  }
0x165: {  	[tilespmem:s7], [sflag:$0x2] =	stream.indirect.gather [hbm4b:s2+s5], $0x80, s5, s5, $0xb8;
	[tilespmem:$0x10200] =	vst v63  }
0x166: {  	_ =	swait.ge [sflag:s8], $0x8000  }
0x167: {  	[sflag:s8] =	ssyncset.done $0x0  }
0x168: {  	s0 =	rddreg [dreg:$0x11];
	[sflag:s8] =	ssyncadd.s32 $0xFFFF8000  }
0x169: {  	[hbm4b:s0+s3] =	stream.linear.scatter [tilespmem:s6], [sflag:$0x3], $0x8000, $0x38;
	[tilespmem:$0x10200] =	vst v63  }
0x16a: {  	_ =	swait.ge [sflag:s4], $0x8000  }
0x16b: {  	[sflag:s4] =	ssyncset.done $0x0  }
0x16c: {  	s0 =	rddreg [dreg:$0x12];
	[sflag:s4] =	ssyncadd.s32 $0xFFFF8000  }
0x16d: {  	[tilespmem:s3], [sflag:$0x3] =	stream.linear.gather [hbm4b:s0+s3], $0x100, $0x38;
	[tilespmem:$0x10200] =	vst v63  }
0x16e: {  	_ =	swait.ge [sflag:s4], $0x100  }
0x16f: {  	[sflag:s4] =	ssyncset.done $0x0  }
0x170: {  	[sflag:s4] =	ssyncadd.s32 $0xFFFFFF00  }
0x171: {  	[tilespmem:s6], [sflag:$0x1] =	stream.indirect.gather [hbm4b:s2+s5], $0x80, s3, s5, $0xb8;
	[tilespmem:$0x10200] =	vst v63  }
0x172: {  	_ =	swait.ge [sflag:s9], $0x8000  }
0x173: {  	[sflag:s9] =	ssyncset.done $0x0  }
0x174: {  	s0 =	rddreg [dreg:$0x13];
	[sflag:s9] =	ssyncadd.s32 $0xFFFF8000  }
0x175: {  	[hbm4b:s0+s3] =	stream.linear.scatter [tilespmem:s7], [sflag:$0x3], $0x8000, $0x38;
	[tilespmem:$0x10200] =	vst v63  }
0x176: {  	_ =	swait.ge [sflag:s4], $0x8000  }
0x177: {  	[sflag:s4] =	ssyncset.done $0x0  }
0x178: {  	s0 =	rddreg [dreg:$0x14];
	[sflag:s4] =	ssyncadd.s32 $0xFFFF8000  }
0x179: {  	[tilespmem:s5], [sflag:$0x3] =	stream.linear.gather [hbm4b:s0+s3], $0x100, $0x38;
	[tilespmem:$0x10200] =	vst v63  }
0x17a: {  	_ =	swait.ge [sflag:s4], $0x100  }
0x17b: {  	[sflag:s4] =	ssyncset.done $0x0  }
0x17c: {  	[sflag:s4] =	ssyncadd.s32 $0xFFFFFF00  }
0x17d: {  	[tilespmem:s7], [sflag:$0x2] =	stream.indirect.gather [hbm4b:s2+s5], $0x80, s5, s5, $0xb8;
	[tilespmem:$0x10200] =	vst v63  }
0x17e: {  	_ =	swait.ge [sflag:s8], $0x8000  }
0x17f: {  	[sflag:s8] =	ssyncset.done $0x0  }
0x180: {  	s0 =	rddreg [dreg:$0x15];
	[sflag:s8] =	ssyncadd.s32 $0xFFFF8000  }
0x181: {  	[hbm4b:s0+s3] =	stream.linear.scatter [tilespmem:s6], [sflag:$0x3], $0x8000, $0x38;
	[tilespmem:$0x10200] =	vst v63  }
0x182: {  	_ =	swait.ge [sflag:s4], $0x8000  }
0x183: {  	[sflag:s4] =	ssyncset.done $0x0  }
0x184: {  	[sflag:s4] =	ssyncadd.s32 $0xFFFF8000  }
0x185: {  	[tilespmem:s3], [sflag:$0x3] =	stream.linear.gather [hbm4b:s10+s3], $0x100, $0x38;
	[tilespmem:$0x10200] =	vst v63  }
0x186: {  	_ =	swait.ge [sflag:s4], $0x100  }
0x187: {  	[sflag:s4] =	ssyncset.done $0x0  }
0x188: {  	[sflag:s4] =	ssyncadd.s32 $0xFFFFFF00  }
0x189: {  	[tilespmem:s6], [sflag:$0x1] =	stream.indirect.gather [hbm4b:s2+s5], $0x80, s3, s5, $0xb8;
	[tilespmem:$0x10200] =	vst v63  }
0x18a: {  	_ =	swait.ge [sflag:s9], $0x8000  }
0x18b: {  	[sflag:s9] =	ssyncset.done $0x0  }
0x18c: {  	[sflag:s9] =	ssyncadd.s32 $0xFFFF8000  }
0x18d: {  	[hbm4b:s11+s3] =	stream.linear.scatter [tilespmem:s7], [sflag:$0x3], $0x8000, $0x38;
	[tilespmem:$0x10200] =	vst v63  }
0x18e: {  	_ =	swait.ge [sflag:s4], $0x8000  }
0x18f: {  	[sflag:s4] =	ssyncset.done $0x0  }
0x190: {  	[sflag:s4] =	ssyncadd.s32 $0xFFFF8000  }
0x191: {  	[tilespmem:s5], [sflag:$0x3] =	stream.linear.gather [hbm4b:s12+s3], $0x100, $0x38;
	[tilespmem:$0x10200] =	vst v63  }
0x192: {  	_ =	swait.ge [sflag:s4], $0x100  }
0x193: {  	[sflag:s4] =	ssyncset.done $0x0  }
0x194: {  	[sflag:s4] =	ssyncadd.s32 $0xFFFFFF00  }
0x195: {  	[tilespmem:s7], [sflag:$0x2] =	stream.indirect.gather [hbm4b:s2+s5], $0x80, s5, s5, $0xb8;
	[tilespmem:$0x10200] =	vst v63  }
0x196: {  	_ =	swait.ge [sflag:s8], $0x8000  }
0x197: {  	[sflag:s8] =	ssyncset.done $0x0  }
0x198: {  	[sflag:s8] =	ssyncadd.s32 $0xFFFF8000  }
0x199: {  	[hbm4b:s13+s3] =	stream.linear.scatter [tilespmem:s6], [sflag:$0x3], $0x8000, $0x38;
	[tilespmem:$0x10200] =	vst v63  }
0x19a: {  	_ =	swait.ge [sflag:s4], $0x8000  }
0x19b: {  	[sflag:s4] =	ssyncset.done $0x0  }
0x19c: {  	[sflag:s4] =	ssyncadd.s32 $0xFFFF8000  }
0x19d: {  	[tilespmem:s3], [sflag:$0x3] =	stream.linear.gather [hbm4b:s14+s3], $0x100, $0x38;
	[tilespmem:$0x10200] =	vst v63  }
0x19e: {  	_ =	swait.ge [sflag:s4], $0x100  }
0x19f: {  	[sflag:s4] =	ssyncset.done $0x0  }
0x1a0: {  	[sflag:s4] =	ssyncadd.s32 $0xFFFFFF00  }
0x1a1: {  	[tilespmem:s6], [sflag:$0x1] =	stream.indirect.gather [hbm4b:s2+s5], $0x80, s3, s5, $0xb8;
	[tilespmem:$0x10200] =	vst v63  }
0x1a2: {  	_ =	swait.ge [sflag:s9], $0x8000  }
0x1a3: {  	[sflag:s9] =	ssyncset.done $0x0  }
0x1a4: {  	[sflag:s9] =	ssyncadd.s32 $0xFFFF8000  }
0x1a5: {  	[hbm4b:s15+s3] =	stream.linear.scatter [tilespmem:s7], [sflag:$0x3], $0x8000, $0x38;
	[tilespmem:$0x10200] =	vst v63  }
0x1a6: {  	_ =	swait.ge [sflag:s4], $0x8000  }
0x1a7: {  	[sflag:s4] =	ssyncset.done $0x0  }
0x1a8: {  	[sflag:s4] =	ssyncadd.s32 $0xFFFF8000  }
0x1a9: {  	[tilespmem:s5], [sflag:$0x3] =	stream.linear.gather [hbm4b:s16+s3], $0x100, $0x38;
	[tilespmem:$0x10200] =	vst v63  }
0x1aa: {  	_ =	swait.ge [sflag:s4], $0x100  }
0x1ab: {  	[sflag:s4] =	ssyncset.done $0x0  }
0x1ac: {  	[sflag:s4] =	ssyncadd.s32 $0xFFFFFF00  }
0x1ad: {  	[tilespmem:s7], [sflag:$0x2] =	stream.indirect.gather [hbm4b:s2+s5], $0x80, s5, s5, $0xb8;
	[tilespmem:$0x10200] =	vst v63  }
0x1ae: {  	_ =	swait.ge [sflag:s8], $0x8000  }
0x1af: {  	[sflag:s8] =	ssyncset.done $0x0  }
0x1b0: {  	[sflag:s8] =	ssyncadd.s32 $0xFFFF8000  }
0x1b1: {  	[hbm4b:s17+s3] =	stream.linear.scatter [tilespmem:s6], [sflag:$0x3], $0x8000, $0x38;
	[tilespmem:$0x10200] =	vst v63  }
0x1b2: {  	_ =	swait.ge [sflag:s4], $0x8000  }
0x1b3: {  	[sflag:s4] =	ssyncset.done $0x0  }
0x1b4: {  	[sflag:s4] =	ssyncadd.s32 $0xFFFF8000  }
0x1b5: {  	[tilespmem:s3], [sflag:$0x3] =	stream.linear.gather [hbm4b:s18+s3], $0x100, $0x38;
	[tilespmem:$0x10200] =	vst v63  }
0x1b6: {  	_ =	swait.ge [sflag:s4], $0x100  }
0x1b7: {  	[sflag:s4] =	ssyncset.done $0x0  }
0x1b8: {  	[sflag:s4] =	ssyncadd.s32 $0xFFFFFF00  }
0x1b9: {  	[tilespmem:s6], [sflag:$0x1] =	stream.indirect.gather [hbm4b:s2+s5], $0x80, s3, s5, $0xb8;
	[tilespmem:$0x10200] =	vst v63  }
0x1ba: {  	_ =	swait.ge [sflag:s9], $0x8000  }
0x1bb: {  	[sflag:s9] =	ssyncset.done $0x0  }
0x1bc: {  	[sflag:s9] =	ssyncadd.s32 $0xFFFF8000  }
0x1bd: {  	[hbm4b:s19+s3] =	stream.linear.scatter [tilespmem:s7], [sflag:$0x3], $0x8000, $0x38;
	[tilespmem:$0x10200] =	vst v63  }
0x1be: {  	_ =	swait.ge [sflag:s4], $0x8000  }
0x1bf: {  	[sflag:s4] =	ssyncset.done $0x0  }
0x1c0: {  	[sflag:s4] =	ssyncadd.s32 $0xFFFF8000  }
0x1c1: {  	[tilespmem:s5], [sflag:$0x3] =	stream.linear.gather [hbm4b:s20+s3], $0x100, $0x38;
	[tilespmem:$0x10200] =	vst v63  }
0x1c2: {  	_ =	swait.ge [sflag:s4], $0x100  }
0x1c3: {  	[sflag:s4] =	ssyncset.done $0x0  }
0x1c4: {  	[sflag:s4] =	ssyncadd.s32 $0xFFFFFF00  }
0x1c5: {  	[tilespmem:s7], [sflag:$0x2] =	stream.indirect.gather [hbm4b:s2+s5], $0x80, s5, s5, $0xb8;
	[tilespmem:$0x10200] =	vst v63  }
0x1c6: {  	_ =	swait.ge [sflag:s8], $0x8000  }
0x1c7: {  	[sflag:s8] =	ssyncset.done $0x0  }
0x1c8: {  	[sflag:s8] =	ssyncadd.s32 $0xFFFF8000  }
0x1c9: {  	[hbm4b:s21+s3] =	stream.linear.scatter [tilespmem:s6], [sflag:$0x3], $0x8000, $0x38;
	[tilespmem:$0x10200] =	vst v63  }
0x1ca: {  	_ =	swait.ge [sflag:s4], $0x8000  }
0x1cb: {  	[sflag:s4] =	ssyncset.done $0x0  }
0x1cc: {  	[sflag:s4] =	ssyncadd.s32 $0xFFFF8000  }
0x1cd: {  	[tilespmem:s3], [sflag:$0x3] =	stream.linear.gather [hbm4b:s22+s3], $0x100, $0x38;
	[tilespmem:$0x10200] =	vst v63  }
0x1ce: {  	_ =	swait.ge [sflag:s4], $0x100  }
0x1cf: {  	[sflag:s4] =	ssyncset.done $0x0  }
0x1d0: {  	[sflag:s4] =	ssyncadd.s32 $0xFFFFFF00  }
0x1d1: {  	[tilespmem:s6], [sflag:$0x1] =	stream.indirect.gather [hbm4b:s2+s5], $0x80, s3, s5, $0xb8;
	[tilespmem:$0x10200] =	vst v63  }
0x1d2: {  	_ =	swait.ge [sflag:s9], $0x8000  }
0x1d3: {  	[sflag:s9] =	ssyncset.done $0x0  }
0x1d4: {  	[sflag:s9] =	ssyncadd.s32 $0xFFFF8000  }
0x1d5: {  	[hbm4b:s23+s3] =	stream.linear.scatter [tilespmem:s7], [sflag:$0x3], $0x8000, $0x38;
	[tilespmem:$0x10200] =	vst v63  }
0x1d6: {  	_ =	swait.ge [sflag:s4], $0x8000  }
0x1d7: {  	[sflag:s4] =	ssyncset.done $0x0  }
0x1d8: {  	[sflag:s4] =	ssyncadd.s32 $0xFFFF8000  }
0x1d9: {  	[tilespmem:s5], [sflag:$0x3] =	stream.linear.gather [hbm4b:s24+s3], $0x100, $0x38;
	[tilespmem:$0x10200] =	vst v63  }
0x1da: {  	_ =	swait.ge [sflag:s4], $0x100  }
0x1db: {  	[sflag:s4] =	ssyncset.done $0x0  }
0x1dc: {  	[sflag:s4] =	ssyncadd.s32 $0xFFFFFF00  }
0x1dd: {  	[tilespmem:s7], [sflag:$0x2] =	stream.indirect.gather [hbm4b:s2+s5], $0x80, s5, s5, $0xb8;
	[tilespmem:$0x10200] =	vst v63  }
0x1de: {  	_ =	swait.ge [sflag:s8], $0x8000  }
0x1df: {  	[sflag:s8] =	ssyncset.done $0x0  }
0x1e0: {  	[sflag:s8] =	ssyncadd.s32 $0xFFFF8000  }
0x1e1: {  	[hbm4b:s25+s3] =	stream.linear.scatter [tilespmem:s6], [sflag:$0x3], $0x8000, $0x38;
	[tilespmem:$0x10200] =	vst v63  }
0x1e2: {  	_ =	swait.ge [sflag:s4], $0x8000  }
0x1e3: {  	[sflag:s4] =	ssyncset.done $0x0  }
0x1e4: {  	[sflag:s4] =	ssyncadd.s32 $0xFFFF8000  }
0x1e5: {  	[tilespmem:s3], [sflag:$0x3] =	stream.linear.gather [hbm4b:s26+s3], $0x100, $0x38;
	[tilespmem:$0x10200] =	vst v63  }
0x1e6: {  	_ =	swait.ge [sflag:s4], $0x100  }
0x1e7: {  	[sflag:s4] =	ssyncset.done $0x0  }
0x1e8: {  	[sflag:s4] =	ssyncadd.s32 $0xFFFFFF00  }
0x1e9: {  	[tilespmem:s6], [sflag:$0x1] =	stream.indirect.gather [hbm4b:s2+s5], $0x80, s3, s5, $0xb8;
	[tilespmem:$0x10200] =	vst v63  }
0x1ea: {  	_ =	swait.ge [sflag:s9], $0x8000  }
0x1eb: {  	[sflag:s9] =	ssyncset.done $0x0  }
0x1ec: {  	[sflag:s9] =	ssyncadd.s32 $0xFFFF8000  }
0x1ed: {  	[hbm4b:s28+s3] =	stream.linear.scatter [tilespmem:s7], [sflag:$0x3], $0x8000, $0x38;
	[tilespmem:$0x10200] =	vst v63  }
0x1ee: {  	_ =	swait.ge [sflag:s4], $0x8000  }
0x1ef: {  	[sflag:s4] =	ssyncset.done $0x0  }
0x1f0: {  	[sflag:s4] =	ssyncadd.s32 $0xFFFF8000  }
0x1f1: {  	[tilespmem:s5], [sflag:$0x3] =	stream.linear.gather [hbm4b:s29+s3], $0x100, $0x38;
	[tilespmem:$0x10200] =	vst v63  }
0x1f2: {  	_ =	swait.ge [sflag:s4], $0x100  }
0x1f3: {  	[sflag:s4] =	ssyncset.done $0x0  }
0x1f4: {  	[sflag:s4] =	ssyncadd.s32 $0xFFFFFF00  }
0x1f5: {  	[tilespmem:s7], [sflag:$0x2] =	stream.indirect.gather [hbm4b:s2+s5], $0x80, s5, s5, $0xb8;
	[tilespmem:$0x10200] =	vst v63  }
0x1f6: {  	_ =	swait.ge [sflag:s8], $0x8000  }
0x1f7: {  	[sflag:s8] =	ssyncset.done $0x0  }
0x1f8: {  	[sflag:s8] =	ssyncadd.s32 $0xFFFF8000  }
0x1f9: {  	[hbm4b:s30+s3] =	stream.linear.scatter [tilespmem:s6], [sflag:$0x3], $0x8000, $0x38;
	[tilespmem:$0x10200] =	vst v63  }
0x1fa: {  	_ =	swait.ge [sflag:s4], $0x8000  }
0x1fb: {  	[sflag:s4] =	ssyncset.done $0x0  }
0x1fc: {  	p0 =	sne.s32 s1, $0x1;
	[sflag:s4] =	ssyncadd.s32 $0xFFFF8000  }
.Ltmp1:
0x1fd: {  	_ =	swait.ge [sflag:s9], $0x8000;
	(pc) =	sbr.rel @p0 .LBB2_1-.Ltmp1, $4  }
0x1fe: {  	[sflag:s9] =	ssyncset.done $0x0  }
0x1ff: {  	[sflag:s9] =	ssyncadd.s32 $0xFFFF8000  }
0x200: {  	[hbm4b:s31+s3] =	stream.linear.scatter [tilespmem:s7], [sflag:$0x3], $0x8000, $0x38;
	[tilespmem:$0x10200] =	vst v63  }
0x201: {  	s1 =	sadd.s32 $0xFFFFFFFF, s1;
	_ =	swait.ge [sflag:s4], $0x8000  }
.LBB2_2:
0x202: {  	[sflag:s4] =	ssyncset.done $0x0  }
0x203: {  	[sflag:s4] =	ssyncadd.s32 $0xFFFF8000  }
0x204: {  	_ =	sfence.sel $0x180000  }
0x205: {  	[bflag:$0x0] =	sbarrier.arrive $0xFFFF  }
0x206: {  	_ =	strace $0x90000047  }
0x207: {  	s0 =	stileid.u32;
	[bflag:$0x2] =	sbarrier.arrive $0xFFFF  }
0x208: {  	p0 =	sne.s32 s0, $0x0;
	s0 =	rddreg [dreg:$0x2]  }
0x209: {  	s0 =	sadd.s32 @!p0 $0x100000, s0  }
0x20a: {  	[sflag:s0] =	ssyncadd.tile.s32 @!p0 $0x1;
	_ =	shalt  }
.Lfunc_end2:
_tile_overlayer_lowered:
.L_overlay_start_2:
0x20b: {  	(tag) =	ssettag $0x2  }
0x20c: {  	s0 =	rddreg [dreg:$0x0];
	s2 =	stileid.u32  }
0x20d: {  	s1 =	rddreg [dreg:$0x1];
	p0 =	sne.s32 s2, $0x0  }
0x20e: {  	s3 =	rddreg [dreg:$0x2];
	[bflag:$0x3] =	sbarrier.arrive $0xFFFF;
	s2 =	simm.s32 @!p0 $0x1C03  }
0x20f: {  	[timem:s3], [sflag:s2] =	dma.local @!p0 [hbm:s0], s1  }
0x210: {  	s0 =	simm.s32 @!p0 $0x3  }
0x211: {  	_ =	swait.ge @!p0 [sflag:s0], s1  }
0x212: {  	s1 =	ssub.s32 @!p0 $0x0, s1;
	[sflag:s0] =	ssyncset.done @!p0 $0x0  }
0x213: {  	[sflag:s0] =	ssyncadd.s32 @!p0 s1  }
0x214: {  	[bflag:$0x3] =	sbarrier.arrive $0xFFFF  }
0x215: {  	_ =	shalt  }

</sc_bundles>
